<compile_context>
chip_gen: v7x
topology: tpu7x:2x2x1
jax: 0.10.2.dev20260603
libtpu: 0.0.44.dev20260713+nightly
codegen_flags: <defaults>
</compile_context>

<pallas_src>
import functools

import jax
import jax.numpy as jnp
from jax import lax
from jax.experimental import pallas as pl
from jax.experimental.pallas import tpu as pltpu
from jax.experimental.pallas import tpu_sc as plsc

_HIDDEN = 768
_NUM_EXPERTS = 8
_EXPANDED = 1536
_N_TOKENS = 128
_NC = 2
_L = 16
_CHUNKS = _N_TOKENS // _L


def _logits_body(tokens_ref, rwt_ref, rb_ref, out_ref):
    out_ref[...] = lax.dot_general(
        rwt_ref[...], tokens_ref[...],
        dimension_numbers=(((1,), (1,)), ((), ())),
        preferred_element_type=jnp.float32) + rb_ref[...][:, None]


def _compute_logits_t(tokens, router_w, router_b):
    return pl.pallas_call(
        _logits_body,
        in_specs=[
            pl.BlockSpec((_N_TOKENS, _HIDDEN), lambda: (0, 0)),
            pl.BlockSpec((_NUM_EXPERTS, _HIDDEN), lambda: (0, 0)),
            pl.BlockSpec((_NUM_EXPERTS,), lambda: (0,)),
        ],
        out_specs=pl.BlockSpec((_NUM_EXPERTS, _N_TOKENS), lambda: (0, 0)),
        out_shape=jax.ShapeDtypeStruct((_NUM_EXPERTS, _N_TOKENS),
                                       jnp.float32),
    )(tokens, router_w.T, router_b)


_sc_mesh = plsc.VectorSubcoreMesh(core_axis_name="c", subcore_axis_name="s")


@functools.partial(
    pl.kernel,
    mesh=_sc_mesh,
    out_type=jax.ShapeDtypeStruct((_NUM_EXPERTS, _N_TOKENS), jnp.float32),
    scratch_types=[
        pltpu.VMEM((_NUM_EXPERTS, _N_TOKENS), jnp.float32),
        pltpu.VMEM((_NUM_EXPERTS, _N_TOKENS), jnp.float32),
    ],
)
def _sc_router(logits_hbm, pt_hbm, lg_v, pt_v):
    wid = lax.axis_index("s") * _NC + lax.axis_index("c")

    @pl.when(wid == 0)
    def _():
        pltpu.sync_copy(logits_hbm, lg_v)
        zero = jnp.zeros((_L,), jnp.float32)

        def chunk(j, carry):
            sl = pl.ds(j * _L, _L)
            m1 = lg_v[0, sl]
            i1 = jnp.zeros((_L,), jnp.int32)
            for e in range(1, _NUM_EXPERTS):
                v = lg_v[e, sl]
                b = v > m1
                m1 = jnp.where(b, v, m1)
                i1 = jnp.where(b, e, i1)
            m2 = jnp.full((_L,), -jnp.inf, jnp.float32)
            i2 = jnp.zeros((_L,), jnp.int32)
            for e in range(_NUM_EXPERTS):
                v = lg_v[e, sl]
                b = jnp.logical_and(i1 != e, v > m2)
                m2 = jnp.where(b, v, m2)
                i2 = jnp.where(b, e, i2)
            p1 = 1.0 / (1.0 + jnp.exp(m2 - m1))
            p2 = 1.0 - p1
            for e in range(_NUM_EXPERTS):
                pt_v[e, sl] = jnp.where(i1 == e, p1,
                                        jnp.where(i2 == e, p2, zero))
            return carry

        lax.fori_loop(0, _CHUNKS, chunk, 0)
        pltpu.sync_copy(pt_v, pt_hbm)


def _row(ref, e, width):
    rows = lax.broadcasted_iota(jnp.int32, (_NUM_EXPERTS, width), 0)
    return jnp.sum(jnp.where(rows == e, ref[...], 0.0), axis=0,
                   keepdims=True)


_SPLIT = 1
_H_SP = _HIDDEN // _SPLIT
_E_SP = _EXPANDED // _SPLIT


def _ffn_all_body(tokens_ref, *refs):
    w1_refs = refs[:_SPLIT]
    b1_ref = refs[_SPLIT]
    w2_refs = refs[_SPLIT + 1:2 * _SPLIT + 1]
    b2_ref = refs[2 * _SPLIT + 1]
    o_ref = refs[2 * _SPLIT + 2]
    e = pl.program_id(0)
    tokens = tokens_ref[...]
    h = _row(b1_ref, e, _EXPANDED)
    for k in range(_SPLIT):
        h += jnp.dot(tokens[:, k * _H_SP:(k + 1) * _H_SP], w1_refs[k][0],
                     preferred_element_type=jnp.float32)
    h = h * 0.5 * (1.0 + lax.erf(h * 0.7071067811865476))
    o = _row(b2_ref, e, _HIDDEN)
    for k in range(_SPLIT):
        o += jnp.dot(h[:, k * _E_SP:(k + 1) * _E_SP], w2_refs[k][0],
                     preferred_element_type=jnp.float32)
    o_ref[0] = o


def _ffn_all(tokens, w1, b1, w2, b2):
    w1_specs = [
        pl.BlockSpec((1, _H_SP, _EXPANDED), lambda e, k=k: (e, k, 0))
        for k in range(_SPLIT)
    ]
    w2_specs = [
        pl.BlockSpec((1, _E_SP, _HIDDEN), lambda e, k=k: (e, k, 0))
        for k in range(_SPLIT)
    ]
    return pl.pallas_call(
        _ffn_all_body,
        grid=(_NUM_EXPERTS,),
        in_specs=[
            pl.BlockSpec((_N_TOKENS, _HIDDEN), lambda e: (0, 0)),
            *w1_specs,
            pl.BlockSpec((_NUM_EXPERTS, _EXPANDED), lambda e: (0, 0)),
            *w2_specs,
            pl.BlockSpec((_NUM_EXPERTS, _HIDDEN), lambda e: (0, 0)),
        ],
        out_specs=pl.BlockSpec((1, _N_TOKENS, _HIDDEN), lambda e: (e, 0, 0)),
        out_shape=jax.ShapeDtypeStruct((_NUM_EXPERTS, _N_TOKENS, _HIDDEN),
                                       tokens.dtype),
    )(tokens, *([w1] * _SPLIT), b1, *([w2] * _SPLIT), b2)


def _combine_body(o_ref, pt_ref, out_ref):
    p = jnp.transpose(pt_ref[...])
    acc = p[:, 0:1] * o_ref[0]
    for e in range(1, _NUM_EXPERTS):
        acc += p[:, e:e + 1] * o_ref[e]
    out_ref[...] = acc


def _combine(o_all, pt):
    return pl.pallas_call(
        _combine_body,
        in_specs=[
            pl.BlockSpec((_NUM_EXPERTS, _N_TOKENS, _HIDDEN),
                         lambda: (0, 0, 0)),
            pl.BlockSpec((_NUM_EXPERTS, _N_TOKENS), lambda: (0, 0)),
        ],
        out_specs=pl.BlockSpec((_N_TOKENS, _HIDDEN), lambda: (0, 0)),
        out_shape=jax.ShapeDtypeStruct((_N_TOKENS, _HIDDEN), o_all.dtype),
    )(o_all, pt)


def kernel(tokens, router_w, router_b, w1, b1, w2, b2):
    logits_t = _compute_logits_t(tokens, router_w, router_b)
    pt = _sc_router(logits_t)
    o_all = _ffn_all(tokens, w1, b1, w2, b2)
    return _combine(o_all, pt)

# --- scband reference (transcript-rebuilt; emitter-appended) ---
"""Pipeline reference for scband-vectorized-top-kmo-e-37177236914640 (READ-ONLY COPY).

The authoritative reference and input builder live on the scoring server;
editing this copy changes nothing except your own understanding.
"""

import jax, jax.numpy as jnp
import numpy as np

HIDDEN = 768
NUM_EXPERTS = 8
TOP_K = 2
EXPANSION = 2
EXPANDED = HIDDEN * EXPANSION
N_TOKENS = 128


def setup_inputs(seed: int = 0) -> dict:
    key = jax.random.key(seed)
    ks = jax.random.split(key, 8)
    tokens = jax.random.normal(ks[0], (N_TOKENS, HIDDEN), dtype=jnp.float32)
    # router linear params (nn.Linear default init approximated with uniform)
    lim_r = 1.0 / np.sqrt(HIDDEN)
    router_w = jax.random.uniform(ks[1], (HIDDEN, NUM_EXPERTS), minval=-lim_r, maxval=lim_r, dtype=jnp.float32)
    router_b = jax.random.uniform(ks[2], (NUM_EXPERTS,), minval=-lim_r, maxval=lim_r, dtype=jnp.float32)
    # expert weights: kaiming_uniform_(a=sqrt(5)) -> bound = 1/sqrt(fan_in)
    lim1 = 1.0 / np.sqrt(HIDDEN)
    w1 = jax.random.uniform(ks[3], (NUM_EXPERTS, HIDDEN, EXPANDED), minval=-lim1, maxval=lim1, dtype=jnp.float32)
    b1 = jnp.zeros((NUM_EXPERTS, EXPANDED), dtype=jnp.float32)
    lim2 = 1.0 / np.sqrt(EXPANDED)
    w2 = jax.random.uniform(ks[4], (NUM_EXPERTS, EXPANDED, HIDDEN), minval=-lim2, maxval=lim2, dtype=jnp.float32)
    b2 = jnp.zeros((NUM_EXPERTS, HIDDEN), dtype=jnp.float32)
    return {"tokens": tokens, "router_w": router_w, "router_b": router_b,
            "w1": w1, "b1": b1, "w2": w2, "b2": b2}


def reference(tokens, router_w, router_b, w1, b1, w2, b2):
    n = tokens.shape[0]
    logits = tokens @ router_w + router_b
    top_scores, expert_ids = jax.lax.top_k(logits, TOP_K)
    probs = jax.nn.softmax(top_scores, axis=-1).astype(tokens.dtype)
    # tokens.unsqueeze(1).expand(-1, top_k, -1).reshape(-1, H) == repeat each token top_k times consecutively
    flat_tokens = jnp.repeat(tokens, TOP_K, axis=0)
    flat_expert_ids = expert_ids.reshape(-1)
    flat_probs = probs.reshape(-1, 1)
    w1g = jnp.take(w1, flat_expert_ids, axis=0)
    b1g = jnp.take(b1, flat_expert_ids, axis=0)
    hidden = jnp.einsum('nd,nde->ne', flat_tokens, w1g) + b1g
    hidden = jax.nn.gelu(hidden, approximate=False)
    w2g = jnp.take(w2, flat_expert_ids, axis=0)
    b2g = jnp.take(b2, flat_expert_ids, axis=0)
    expert_out = jnp.einsum('ne,ned->nd', hidden, w2g) + b2g
    weighted = expert_out * flat_probs
    token_indices = jnp.repeat(jnp.arange(n), TOP_K)
    output = jnp.zeros_like(tokens).at[token_indices].add(weighted)
    return output

if __name__ == "__main__":
    import jax
    _d = setup_inputs()
    print(jax.jit(kernel)(*tuple(_d.values())))

</pallas_src>

<mosaic_0001>
#map = affine_map<(d0, d1) -> (0, 0)>
module attributes {stable_mosaic.version = 14 : i64} {
  func.func @_sc_router(%arg0: i32, %arg1: i32, %arg2: memref<8x128xf32, #tpu.memory_space<hbm>>, %arg3: memref<8x128xf32, #tpu.memory_space<hbm>>, %arg4: memref<8x128xf32, #tpu.memory_space<vmem>>, %arg5: memref<8x128xf32, #tpu.memory_space<vmem>>) attributes {dimension_semantics = [#tpu.dimension_semantics<core_parallel>, #tpu.dimension_semantics<subcore_parallel>], iteration_bounds = array<i64: 2, 16>, scalar_prefetch = 0 : i64, scratch_operands = 2 : i64, tpu.core_type = #tpu.core_type<sc_vector_subcore>, window_params = [{transform_indices = #map}, {transform_indices = #map}]} {
    %mul3A = arith.constant 2 : i32
    %mul3A_0 = arith.muli %arg1, %mul3A : i32
    %add3A = arith.addi %mul3A_0, %arg0 : i32
    %eq3A = arith.constant 0 : i32
    %eq3A_1 = arith.cmpi eq, %add3A, %eq3A : i32
    %convert_element_type3A = arith.extui %eq3A_1 : i1 to i32
    %cond3A = arith.constant 0 : i32
    %cond3A_2 = arith.cmpi ne, %convert_element_type3A, %cond3A : i32
    scf.if %cond3A_2 {
      "tpu.region"() ({
        %run_scoped3A = tpu.sem_alloc : memref<!tpu.dma_semaphore, #tpu.memory_space<semaphore_mem>>
        tpu.enqueue_dma source(%arg2 : memref<8x128xf32, #tpu.memory_space<hbm>>) target(%arg4 : memref<8x128xf32, #tpu.memory_space<vmem>>) target_semaphore(%run_scoped3A : memref<!tpu.dma_semaphore, #tpu.memory_space<semaphore_mem>>)
        tpu.wait_dma2 semaphore(%run_scoped3A : memref<!tpu.dma_semaphore, #tpu.memory_space<semaphore_mem>>) src(%arg2 : memref<8x128xf32, #tpu.memory_space<hbm>>) dst(%arg4 : memref<8x128xf32, #tpu.memory_space<vmem>>)
        tpu.yield
      }) : () -> ()
      %broadcast_in_dim3A = arith.constant 0.000000e+00 : f32
      %broadcast_in_dim3A_3 = vector.broadcast %broadcast_in_dim3A : f32 to vector<16xf32>
      %scan3A = arith.constant 0 : i32
      %scan3A_4 = arith.constant 0 : i32
      %scan3A_5 = arith.constant 8 : i32
      %scan3A_6 = arith.addi %scan3A_4, %scan3A_5 : i32
      %scan3A_7 = arith.constant 1 : i32
      scf.for %scan3A_9 = %scan3A_4 to %scan3A_6 step %scan3A_7  : i32 {
        %mul3A_10 = arith.constant 16 : i32
        %mul3A_11 = arith.muli %scan3A_9, %mul3A_10 : i32
        %get3A = arith.constant 0 : i32
        %get3A_12 = arith.index_cast %get3A : i32 to index
        %get3A_13 = arith.index_cast %mul3A_11 : i32 to index
        %get3A_14 = tpu.vector_load %arg4[%get3A_12, %get3A_13] {strides = array<i32>} : memref<8x128xf32, #tpu.memory_space<vmem>>, vector<1x16xf32>,
        %get3A_15 = vector.shape_cast %get3A_14 : vector<1x16xf32> to vector<16xf32>
        %broadcast_in_dim3A_16 = arith.constant 0 : i32
        %broadcast_in_dim3A_17 = vector.broadcast %broadcast_in_dim3A_16 : i32 to vector<16xi32>
        %get3A_18 = arith.constant 1 : i32
        %get3A_19 = arith.index_cast %get3A_18 : i32 to index
        %get3A_20 = arith.index_cast %mul3A_11 : i32 to index
        %get3A_21 = tpu.vector_load %arg4[%get3A_19, %get3A_20] {strides = array<i32>} : memref<8x128xf32, #tpu.memory_space<vmem>>, vector<1x16xf32>,
        %get3A_22 = vector.shape_cast %get3A_21 : vector<1x16xf32> to vector<16xf32>
        %gt3A = arith.cmpf ogt, %get3A_22, %get3A_15 : vector<16xf32>
        %select_n3A = arith.select %gt3A, %get3A_22, %get3A_15 : vector<16xi1>, vector<16xf32>
        %jit3A = arith.constant 1 : i32
        %broadcast_in_dim3A_23 = vector.broadcast %jit3A : i32 to vector<16xi32>
        %select_n3A_24 = arith.select %gt3A, %broadcast_in_dim3A_23, %broadcast_in_dim3A_17 : vector<16xi1>, vector<16xi32>
        %get3A_25 = arith.constant 2 : i32
        %get3A_26 = arith.index_cast %get3A_25 : i32 to index
        %get3A_27 = arith.index_cast %mul3A_11 : i32 to index
        %get3A_28 = tpu.vector_load %arg4[%get3A_26, %get3A_27] {strides = array<i32>} : memref<8x128xf32, #tpu.memory_space<vmem>>, vector<1x16xf32>,
        %get3A_29 = vector.shape_cast %get3A_28 : vector<1x16xf32> to vector<16xf32>
        %gt3A_30 = arith.cmpf ogt, %get3A_29, %select_n3A : vector<16xf32>
        %select_n3A_31 = arith.select %gt3A_30, %get3A_29, %select_n3A : vector<16xi1>, vector<16xf32>
        %jit3A_32 = arith.constant 2 : i32
        %broadcast_in_dim3A_33 = vector.broadcast %jit3A_32 : i32 to vector<16xi32>
        %select_n3A_34 = arith.select %gt3A_30, %broadcast_in_dim3A_33, %select_n3A_24 : vector<16xi1>, vector<16xi32>
        %get3A_35 = arith.constant 3 : i32
        %get3A_36 = arith.index_cast %get3A_35 : i32 to index
        %get3A_37 = arith.index_cast %mul3A_11 : i32 to index
        %get3A_38 = tpu.vector_load %arg4[%get3A_36, %get3A_37] {strides = array<i32>} : memref<8x128xf32, #tpu.memory_space<vmem>>, vector<1x16xf32>,
        %get3A_39 = vector.shape_cast %get3A_38 : vector<1x16xf32> to vector<16xf32>
        %gt3A_40 = arith.cmpf ogt, %get3A_39, %select_n3A_31 : vector<16xf32>
        %select_n3A_41 = arith.select %gt3A_40, %get3A_39, %select_n3A_31 : vector<16xi1>, vector<16xf32>
        %jit3A_42 = arith.constant 3 : i32
        %broadcast_in_dim3A_43 = vector.broadcast %jit3A_42 : i32 to vector<16xi32>
        %select_n3A_44 = arith.select %gt3A_40, %broadcast_in_dim3A_43, %select_n3A_34 : vector<16xi1>, vector<16xi32>
        %get3A_45 = arith.constant 4 : i32
        %get3A_46 = arith.index_cast %get3A_45 : i32 to index
        %get3A_47 = arith.index_cast %mul3A_11 : i32 to index
        %get3A_48 = tpu.vector_load %arg4[%get3A_46, %get3A_47] {strides = array<i32>} : memref<8x128xf32, #tpu.memory_space<vmem>>, vector<1x16xf32>,
        %get3A_49 = vector.shape_cast %get3A_48 : vector<1x16xf32> to vector<16xf32>
        %gt3A_50 = arith.cmpf ogt, %get3A_49, %select_n3A_41 : vector<16xf32>
        %select_n3A_51 = arith.select %gt3A_50, %get3A_49, %select_n3A_41 : vector<16xi1>, vector<16xf32>
        %jit3A_52 = arith.constant 4 : i32
        %broadcast_in_dim3A_53 = vector.broadcast %jit3A_52 : i32 to vector<16xi32>
        %select_n3A_54 = arith.select %gt3A_50, %broadcast_in_dim3A_53, %select_n3A_44 : vector<16xi1>, vector<16xi32>
        %get3A_55 = arith.constant 5 : i32
        %get3A_56 = arith.index_cast %get3A_55 : i32 to index
        %get3A_57 = arith.index_cast %mul3A_11 : i32 to index
        %get3A_58 = tpu.vector_load %arg4[%get3A_56, %get3A_57] {strides = array<i32>} : memref<8x128xf32, #tpu.memory_space<vmem>>, vector<1x16xf32>,
        %get3A_59 = vector.shape_cast %get3A_58 : vector<1x16xf32> to vector<16xf32>
        %gt3A_60 = arith.cmpf ogt, %get3A_59, %select_n3A_51 : vector<16xf32>
        %select_n3A_61 = arith.select %gt3A_60, %get3A_59, %select_n3A_51 : vector<16xi1>, vector<16xf32>
        %jit3A_62 = arith.constant 5 : i32
        %broadcast_in_dim3A_63 = vector.broadcast %jit3A_62 : i32 to vector<16xi32>
        %select_n3A_64 = arith.select %gt3A_60, %broadcast_in_dim3A_63, %select_n3A_54 : vector<16xi1>, vector<16xi32>
        %get3A_65 = arith.constant 6 : i32
        %get3A_66 = arith.index_cast %get3A_65 : i32 to index
        %get3A_67 = arith.index_cast %mul3A_11 : i32 to index
        %get3A_68 = tpu.vector_load %arg4[%get3A_66, %get3A_67] {strides = array<i32>} : memref<8x128xf32, #tpu.memory_space<vmem>>, vector<1x16xf32>,
        %get3A_69 = vector.shape_cast %get3A_68 : vector<1x16xf32> to vector<16xf32>
        %gt3A_70 = arith.cmpf ogt, %get3A_69, %select_n3A_61 : vector<16xf32>
        %select_n3A_71 = arith.select %gt3A_70, %get3A_69, %select_n3A_61 : vector<16xi1>, vector<16xf32>
        %jit3A_72 = arith.constant 6 : i32
        %broadcast_in_dim3A_73 = vector.broadcast %jit3A_72 : i32 to vector<16xi32>
        %select_n3A_74 = arith.select %gt3A_70, %broadcast_in_dim3A_73, %select_n3A_64 : vector<16xi1>, vector<16xi32>
        %get3A_75 = arith.constant 7 : i32
        %get3A_76 = arith.index_cast %get3A_75 : i32 to index
        %get3A_77 = arith.index_cast %mul3A_11 : i32 to index
        %get3A_78 = tpu.vector_load %arg4[%get3A_76, %get3A_77] {strides = array<i32>} : memref<8x128xf32, #tpu.memory_space<vmem>>, vector<1x16xf32>,
        %get3A_79 = vector.shape_cast %get3A_78 : vector<1x16xf32> to vector<16xf32>
        %gt3A_80 = arith.cmpf ogt, %get3A_79, %select_n3A_71 : vector<16xf32>
        %select_n3A_81 = arith.select %gt3A_80, %get3A_79, %select_n3A_71 : vector<16xi1>, vector<16xf32>
        %jit3A_82 = arith.constant 7 : i32
        %broadcast_in_dim3A_83 = vector.broadcast %jit3A_82 : i32 to vector<16xi32>
        %select_n3A_84 = arith.select %gt3A_80, %broadcast_in_dim3A_83, %select_n3A_74 : vector<16xi1>, vector<16xi32>
        %broadcast_in_dim3A_85 = arith.constant 0xFF800000 : f32
        %broadcast_in_dim3A_86 = vector.broadcast %broadcast_in_dim3A_85 : f32 to vector<16xf32>
        %broadcast_in_dim3A_87 = arith.constant 0 : i32
        %broadcast_in_dim3A_88 = vector.broadcast %broadcast_in_dim3A_87 : i32 to vector<16xi32>
        %get3A_89 = arith.constant 0 : i32
        %get3A_90 = arith.index_cast %get3A_89 : i32 to index
        %get3A_91 = arith.index_cast %mul3A_11 : i32 to index
        %get3A_92 = tpu.vector_load %arg4[%get3A_90, %get3A_91] {strides = array<i32>} : memref<8x128xf32, #tpu.memory_space<vmem>>, vector<1x16xf32>,
        %get3A_93 = vector.shape_cast %get3A_92 : vector<1x16xf32> to vector<16xf32>
        %ne3A = arith.constant 0 : i32
        %ne3A_94 = vector.broadcast %ne3A : i32 to vector<16xi32>
        %ne3A_95 = arith.cmpi ne, %select_n3A_84, %ne3A_94 : vector<16xi32>
        %gt3A_96 = arith.cmpf ogt, %get3A_93, %broadcast_in_dim3A_86 : vector<16xf32>
        %and3A = arith.andi %ne3A_95, %gt3A_96 : vector<16xi1>
        %select_n3A_97 = arith.select %and3A, %get3A_93, %broadcast_in_dim3A_86 : vector<16xi1>, vector<16xf32>
        %jit3A_98 = arith.constant 0 : i32
        %broadcast_in_dim3A_99 = vector.broadcast %jit3A_98 : i32 to vector<16xi32>
        %select_n3A_100 = arith.select %and3A, %broadcast_in_dim3A_99, %broadcast_in_dim3A_88 : vector<16xi1>, vector<16xi32>
        %get3A_101 = arith.constant 1 : i32
        %get3A_102 = arith.index_cast %get3A_101 : i32 to index
        %get3A_103 = arith.index_cast %mul3A_11 : i32 to index
        %get3A_104 = tpu.vector_load %arg4[%get3A_102, %get3A_103] {strides = array<i32>} : memref<8x128xf32, #tpu.memory_space<vmem>>, vector<1x16xf32>,
        %get3A_105 = vector.shape_cast %get3A_104 : vector<1x16xf32> to vector<16xf32>
        %ne3A_106 = arith.constant 1 : i32
        %ne3A_107 = vector.broadcast %ne3A_106 : i32 to vector<16xi32>
        %ne3A_108 = arith.cmpi ne, %select_n3A_84, %ne3A_107 : vector<16xi32>
        %gt3A_109 = arith.cmpf ogt, %get3A_105, %select_n3A_97 : vector<16xf32>
        %and3A_110 = arith.andi %ne3A_108, %gt3A_109 : vector<16xi1>
        %select_n3A_111 = arith.select %and3A_110, %get3A_105, %select_n3A_97 : vector<16xi1>, vector<16xf32>
        %jit3A_112 = arith.constant 1 : i32
        %broadcast_in_dim3A_113 = vector.broadcast %jit3A_112 : i32 to vector<16xi32>
        %select_n3A_114 = arith.select %and3A_110, %broadcast_in_dim3A_113, %select_n3A_100 : vector<16xi1>, vector<16xi32>
        %get3A_115 = arith.constant 2 : i32
        %get3A_116 = arith.index_cast %get3A_115 : i32 to index
        %get3A_117 = arith.index_cast %mul3A_11 : i32 to index
        %get3A_118 = tpu.vector_load %arg4[%get3A_116, %get3A_117] {strides = array<i32>} : memref<8x128xf32, #tpu.memory_space<vmem>>, vector<1x16xf32>,
        %get3A_119 = vector.shape_cast %get3A_118 : vector<1x16xf32> to vector<16xf32>
        %ne3A_120 = arith.constant 2 : i32
        %ne3A_121 = vector.broadcast %ne3A_120 : i32 to vector<16xi32>
        %ne3A_122 = arith.cmpi ne, %select_n3A_84, %ne3A_121 : vector<16xi32>
        %gt3A_123 = arith.cmpf ogt, %get3A_119, %select_n3A_111 : vector<16xf32>
        %and3A_124 = arith.andi %ne3A_122, %gt3A_123 : vector<16xi1>
        %select_n3A_125 = arith.select %and3A_124, %get3A_119, %select_n3A_111 : vector<16xi1>, vector<16xf32>
        %jit3A_126 = arith.constant 2 : i32
        %broadcast_in_dim3A_127 = vector.broadcast %jit3A_126 : i32 to vector<16xi32>
        %select_n3A_128 = arith.select %and3A_124, %broadcast_in_dim3A_127, %select_n3A_114 : vector<16xi1>, vector<16xi32>
        %get3A_129 = arith.constant 3 : i32
        %get3A_130 = arith.index_cast %get3A_129 : i32 to index
        %get3A_131 = arith.index_cast %mul3A_11 : i32 to index
        %get3A_132 = tpu.vector_load %arg4[%get3A_130, %get3A_131] {strides = array<i32>} : memref<8x128xf32, #tpu.memory_space<vmem>>, vector<1x16xf32>,
        %get3A_133 = vector.shape_cast %get3A_132 : vector<1x16xf32> to vector<16xf32>
        %ne3A_134 = arith.constant 3 : i32
        %ne3A_135 = vector.broadcast %ne3A_134 : i32 to vector<16xi32>
        %ne3A_136 = arith.cmpi ne, %select_n3A_84, %ne3A_135 : vector<16xi32>
        %gt3A_137 = arith.cmpf ogt, %get3A_133, %select_n3A_125 : vector<16xf32>
        %and3A_138 = arith.andi %ne3A_136, %gt3A_137 : vector<16xi1>
        %select_n3A_139 = arith.select %and3A_138, %get3A_133, %select_n3A_125 : vector<16xi1>, vector<16xf32>
        %jit3A_140 = arith.constant 3 : i32
        %broadcast_in_dim3A_141 = vector.broadcast %jit3A_140 : i32 to vector<16xi32>
        %select_n3A_142 = arith.select %and3A_138, %broadcast_in_dim3A_141, %select_n3A_128 : vector<16xi1>, vector<16xi32>
        %get3A_143 = arith.constant 4 : i32
        %get3A_144 = arith.index_cast %get3A_143 : i32 to index
        %get3A_145 = arith.index_cast %mul3A_11 : i32 to index
        %get3A_146 = tpu.vector_load %arg4[%get3A_144, %get3A_145] {strides = array<i32>} : memref<8x128xf32, #tpu.memory_space<vmem>>, vector<1x16xf32>,
        %get3A_147 = vector.shape_cast %get3A_146 : vector<1x16xf32> to vector<16xf32>
        %ne3A_148 = arith.constant 4 : i32
        %ne3A_149 = vector.broadcast %ne3A_148 : i32 to vector<16xi32>
        %ne3A_150 = arith.cmpi ne, %select_n3A_84, %ne3A_149 : vector<16xi32>
        %gt3A_151 = arith.cmpf ogt, %get3A_147, %select_n3A_139 : vector<16xf32>
        %and3A_152 = arith.andi %ne3A_150, %gt3A_151 : vector<16xi1>
        %select_n3A_153 = arith.select %and3A_152, %get3A_147, %select_n3A_139 : vector<16xi1>, vector<16xf32>
        %jit3A_154 = arith.constant 4 : i32
        %broadcast_in_dim3A_155 = vector.broadcast %jit3A_154 : i32 to vector<16xi32>
        %select_n3A_156 = arith.select %and3A_152, %broadcast_in_dim3A_155, %select_n3A_142 : vector<16xi1>, vector<16xi32>
        %get3A_157 = arith.constant 5 : i32
        %get3A_158 = arith.index_cast %get3A_157 : i32 to index
        %get3A_159 = arith.index_cast %mul3A_11 : i32 to index
        %get3A_160 = tpu.vector_load %arg4[%get3A_158, %get3A_159] {strides = array<i32>} : memref<8x128xf32, #tpu.memory_space<vmem>>, vector<1x16xf32>,
        %get3A_161 = vector.shape_cast %get3A_160 : vector<1x16xf32> to vector<16xf32>
        %ne3A_162 = arith.constant 5 : i32
        %ne3A_163 = vector.broadcast %ne3A_162 : i32 to vector<16xi32>
        %ne3A_164 = arith.cmpi ne, %select_n3A_84, %ne3A_163 : vector<16xi32>
        %gt3A_165 = arith.cmpf ogt, %get3A_161, %select_n3A_153 : vector<16xf32>
        %and3A_166 = arith.andi %ne3A_164, %gt3A_165 : vector<16xi1>
        %select_n3A_167 = arith.select %and3A_166, %get3A_161, %select_n3A_153 : vector<16xi1>, vector<16xf32>
        %jit3A_168 = arith.constant 5 : i32
        %broadcast_in_dim3A_169 = vector.broadcast %jit3A_168 : i32 to vector<16xi32>
        %select_n3A_170 = arith.select %and3A_166, %broadcast_in_dim3A_169, %select_n3A_156 : vector<16xi1>, vector<16xi32>
        %get3A_171 = arith.constant 6 : i32
        %get3A_172 = arith.index_cast %get3A_171 : i32 to index
        %get3A_173 = arith.index_cast %mul3A_11 : i32 to index
        %get3A_174 = tpu.vector_load %arg4[%get3A_172, %get3A_173] {strides = array<i32>} : memref<8x128xf32, #tpu.memory_space<vmem>>, vector<1x16xf32>,
        %get3A_175 = vector.shape_cast %get3A_174 : vector<1x16xf32> to vector<16xf32>
        %ne3A_176 = arith.constant 6 : i32
        %ne3A_177 = vector.broadcast %ne3A_176 : i32 to vector<16xi32>
        %ne3A_178 = arith.cmpi ne, %select_n3A_84, %ne3A_177 : vector<16xi32>
        %gt3A_179 = arith.cmpf ogt, %get3A_175, %select_n3A_167 : vector<16xf32>
        %and3A_180 = arith.andi %ne3A_178, %gt3A_179 : vector<16xi1>
        %select_n3A_181 = arith.select %and3A_180, %get3A_175, %select_n3A_167 : vector<16xi1>, vector<16xf32>
        %jit3A_182 = arith.constant 6 : i32
        %broadcast_in_dim3A_183 = vector.broadcast %jit3A_182 : i32 to vector<16xi32>
        %select_n3A_184 = arith.select %and3A_180, %broadcast_in_dim3A_183, %select_n3A_170 : vector<16xi1>, vector<16xi32>
        %get3A_185 = arith.constant 7 : i32
        %get3A_186 = arith.index_cast %get3A_185 : i32 to index
        %get3A_187 = arith.index_cast %mul3A_11 : i32 to index
        %get3A_188 = tpu.vector_load %arg4[%get3A_186, %get3A_187] {strides = array<i32>} : memref<8x128xf32, #tpu.memory_space<vmem>>, vector<1x16xf32>,
        %get3A_189 = vector.shape_cast %get3A_188 : vector<1x16xf32> to vector<16xf32>
        %ne3A_190 = arith.constant 7 : i32
        %ne3A_191 = vector.broadcast %ne3A_190 : i32 to vector<16xi32>
        %ne3A_192 = arith.cmpi ne, %select_n3A_84, %ne3A_191 : vector<16xi32>
        %gt3A_193 = arith.cmpf ogt, %get3A_189, %select_n3A_181 : vector<16xf32>
        %and3A_194 = arith.andi %ne3A_192, %gt3A_193 : vector<16xi1>
        %select_n3A_195 = arith.select %and3A_194, %get3A_189, %select_n3A_181 : vector<16xi1>, vector<16xf32>
        %jit3A_196 = arith.constant 7 : i32
        %broadcast_in_dim3A_197 = vector.broadcast %jit3A_196 : i32 to vector<16xi32>
        %select_n3A_198 = arith.select %and3A_194, %broadcast_in_dim3A_197, %select_n3A_184 : vector<16xi1>, vector<16xi32>
        %sub3A = arith.subf %select_n3A_195, %select_n3A_81 : vector<16xf32>
        %exp3A = math.exp %sub3A : vector<16xf32>
        %add3A_199 = arith.constant 1.000000e+00 : f32
        %add3A_200 = vector.broadcast %add3A_199 : f32 to vector<16xf32>
        %add3A_201 = arith.addf %add3A_200, %exp3A : vector<16xf32>
        %div3A = arith.constant 1.000000e+00 : f32
        %div3A_202 = vector.broadcast %div3A : f32 to vector<16xf32>
        %div3A_203 = arith.divf %div3A_202, %add3A_201 : vector<16xf32>
        %sub3A_204 = arith.constant 1.000000e+00 : f32
        %sub3A_205 = vector.broadcast %sub3A_204 : f32 to vector<16xf32>
        %sub3A_206 = arith.subf %sub3A_205, %div3A_203 : vector<16xf32>
        %eq3A_207 = arith.constant 0 : i32
        %eq3A_208 = vector.broadcast %eq3A_207 : i32 to vector<16xi32>
        %eq3A_209 = arith.cmpi eq, %select_n3A_84, %eq3A_208 : vector<16xi32>
        %eq3A_210 = arith.constant 0 : i32
        %eq3A_211 = vector.broadcast %eq3A_210 : i32 to vector<16xi32>
        %eq3A_212 = arith.cmpi eq, %select_n3A_198, %eq3A_211 : vector<16xi32>
        %select_n3A_213 = arith.select %eq3A_212, %sub3A_206, %broadcast_in_dim3A_3 : vector<16xi1>, vector<16xf32>
        %select_n3A_214 = arith.select %eq3A_209, %div3A_203, %select_n3A_213 : vector<16xi1>, vector<16xf32>
        %swap3A = arith.constant 0 : i32
        %swap3A_215 = arith.index_cast %swap3A : i32 to index
        %swap3A_216 = arith.index_cast %mul3A_11 : i32 to index
        %swap3A_217 = tpu.vector_load %arg5[%swap3A_215, %swap3A_216] {strides = array<i32>} : memref<8x128xf32, #tpu.memory_space<vmem>>, vector<1x16xf32>,
        %swap3A_218 = vector.shape_cast %swap3A_217 : vector<1x16xf32> to vector<16xf32>
        %swap3A_219 = vector.shape_cast %select_n3A_214 : vector<16xf32> to vector<1x16xf32>
        tpu.vector_store %arg5[%swap3A_215, %swap3A_216], %swap3A_219 {strides = array<i32>} : memref<8x128xf32, #tpu.memory_space<vmem>>, vector<1x16xf32>,
        %eq3A_220 = arith.constant 1 : i32
        %eq3A_221 = vector.broadcast %eq3A_220 : i32 to vector<16xi32>
        %eq3A_222 = arith.cmpi eq, %select_n3A_84, %eq3A_221 : vector<16xi32>
        %eq3A_223 = arith.constant 1 : i32
        %eq3A_224 = vector.broadcast %eq3A_223 : i32 to vector<16xi32>
        %eq3A_225 = arith.cmpi eq, %select_n3A_198, %eq3A_224 : vector<16xi32>
        %select_n3A_226 = arith.select %eq3A_225, %sub3A_206, %broadcast_in_dim3A_3 : vector<16xi1>, vector<16xf32>
        %select_n3A_227 = arith.select %eq3A_222, %div3A_203, %select_n3A_226 : vector<16xi1>, vector<16xf32>
        %swap3A_228 = arith.constant 1 : i32
        %swap3A_229 = arith.index_cast %swap3A_228 : i32 to index
        %swap3A_230 = arith.index_cast %mul3A_11 : i32 to index
        %swap3A_231 = tpu.vector_load %arg5[%swap3A_229, %swap3A_230] {strides = array<i32>} : memref<8x128xf32, #tpu.memory_space<vmem>>, vector<1x16xf32>,
        %swap3A_232 = vector.shape_cast %swap3A_231 : vector<1x16xf32> to vector<16xf32>
        %swap3A_233 = vector.shape_cast %select_n3A_227 : vector<16xf32> to vector<1x16xf32>
        tpu.vector_store %arg5[%swap3A_229, %swap3A_230], %swap3A_233 {strides = array<i32>} : memref<8x128xf32, #tpu.memory_space<vmem>>, vector<1x16xf32>,
        %eq3A_234 = arith.constant 2 : i32
        %eq3A_235 = vector.broadcast %eq3A_234 : i32 to vector<16xi32>
        %eq3A_236 = arith.cmpi eq, %select_n3A_84, %eq3A_235 : vector<16xi32>
        %eq3A_237 = arith.constant 2 : i32
        %eq3A_238 = vector.broadcast %eq3A_237 : i32 to vector<16xi32>
        %eq3A_239 = arith.cmpi eq, %select_n3A_198, %eq3A_238 : vector<16xi32>
        %select_n3A_240 = arith.select %eq3A_239, %sub3A_206, %broadcast_in_dim3A_3 : vector<16xi1>, vector<16xf32>
        %select_n3A_241 = arith.select %eq3A_236, %div3A_203, %select_n3A_240 : vector<16xi1>, vector<16xf32>
        %swap3A_242 = arith.constant 2 : i32
        %swap3A_243 = arith.index_cast %swap3A_242 : i32 to index
        %swap3A_244 = arith.index_cast %mul3A_11 : i32 to index
        %swap3A_245 = tpu.vector_load %arg5[%swap3A_243, %swap3A_244] {strides = array<i32>} : memref<8x128xf32, #tpu.memory_space<vmem>>, vector<1x16xf32>,
        %swap3A_246 = vector.shape_cast %swap3A_245 : vector<1x16xf32> to vector<16xf32>
        %swap3A_247 = vector.shape_cast %select_n3A_241 : vector<16xf32> to vector<1x16xf32>
        tpu.vector_store %arg5[%swap3A_243, %swap3A_244], %swap3A_247 {strides = array<i32>} : memref<8x128xf32, #tpu.memory_space<vmem>>, vector<1x16xf32>,
        %eq3A_248 = arith.constant 3 : i32
        %eq3A_249 = vector.broadcast %eq3A_248 : i32 to vector<16xi32>
        %eq3A_250 = arith.cmpi eq, %select_n3A_84, %eq3A_249 : vector<16xi32>
        %eq3A_251 = arith.constant 3 : i32
        %eq3A_252 = vector.broadcast %eq3A_251 : i32 to vector<16xi32>
        %eq3A_253 = arith.cmpi eq, %select_n3A_198, %eq3A_252 : vector<16xi32>
        %select_n3A_254 = arith.select %eq3A_253, %sub3A_206, %broadcast_in_dim3A_3 : vector<16xi1>, vector<16xf32>
        %select_n3A_255 = arith.select %eq3A_250, %div3A_203, %select_n3A_254 : vector<16xi1>, vector<16xf32>
        %swap3A_256 = arith.constant 3 : i32
        %swap3A_257 = arith.index_cast %swap3A_256 : i32 to index
        %swap3A_258 = arith.index_cast %mul3A_11 : i32 to index
        %swap3A_259 = tpu.vector_load %arg5[%swap3A_257, %swap3A_258] {strides = array<i32>} : memref<8x128xf32, #tpu.memory_space<vmem>>, vector<1x16xf32>,
        %swap3A_260 = vector.shape_cast %swap3A_259 : vector<1x16xf32> to vector<16xf32>
        %swap3A_261 = vector.shape_cast %select_n3A_255 : vector<16xf32> to vector<1x16xf32>
        tpu.vector_store %arg5[%swap3A_257, %swap3A_258], %swap3A_261 {strides = array<i32>} : memref<8x128xf32, #tpu.memory_space<vmem>>, vector<1x16xf32>,
        %eq3A_262 = arith.constant 4 : i32
        %eq3A_263 = vector.broadcast %eq3A_262 : i32 to vector<16xi32>
        %eq3A_264 = arith.cmpi eq, %select_n3A_84, %eq3A_263 : vector<16xi32>
        %eq3A_265 = arith.constant 4 : i32
        %eq3A_266 = vector.broadcast %eq3A_265 : i32 to vector<16xi32>
        %eq3A_267 = arith.cmpi eq, %select_n3A_198, %eq3A_266 : vector<16xi32>
        %select_n3A_268 = arith.select %eq3A_267, %sub3A_206, %broadcast_in_dim3A_3 : vector<16xi1>, vector<16xf32>
        %select_n3A_269 = arith.select %eq3A_264, %div3A_203, %select_n3A_268 : vector<16xi1>, vector<16xf32>
        %swap3A_270 = arith.constant 4 : i32
        %swap3A_271 = arith.index_cast %swap3A_270 : i32 to index
        %swap3A_272 = arith.index_cast %mul3A_11 : i32 to index
        %swap3A_273 = tpu.vector_load %arg5[%swap3A_271, %swap3A_272] {strides = array<i32>} : memref<8x128xf32, #tpu.memory_space<vmem>>, vector<1x16xf32>,
        %swap3A_274 = vector.shape_cast %swap3A_273 : vector<1x16xf32> to vector<16xf32>
        %swap3A_275 = vector.shape_cast %select_n3A_269 : vector<16xf32> to vector<1x16xf32>
        tpu.vector_store %arg5[%swap3A_271, %swap3A_272], %swap3A_275 {strides = array<i32>} : memref<8x128xf32, #tpu.memory_space<vmem>>, vector<1x16xf32>,
        %eq3A_276 = arith.constant 5 : i32
        %eq3A_277 = vector.broadcast %eq3A_276 : i32 to vector<16xi32>
        %eq3A_278 = arith.cmpi eq, %select_n3A_84, %eq3A_277 : vector<16xi32>
        %eq3A_279 = arith.constant 5 : i32
        %eq3A_280 = vector.broadcast %eq3A_279 : i32 to vector<16xi32>
        %eq3A_281 = arith.cmpi eq, %select_n3A_198, %eq3A_280 : vector<16xi32>
        %select_n3A_282 = arith.select %eq3A_281, %sub3A_206, %broadcast_in_dim3A_3 : vector<16xi1>, vector<16xf32>
        %select_n3A_283 = arith.select %eq3A_278, %div3A_203, %select_n3A_282 : vector<16xi1>, vector<16xf32>
        %swap3A_284 = arith.constant 5 : i32
        %swap3A_285 = arith.index_cast %swap3A_284 : i32 to index
        %swap3A_286 = arith.index_cast %mul3A_11 : i32 to index
        %swap3A_287 = tpu.vector_load %arg5[%swap3A_285, %swap3A_286] {strides = array<i32>} : memref<8x128xf32, #tpu.memory_space<vmem>>, vector<1x16xf32>,
        %swap3A_288 = vector.shape_cast %swap3A_287 : vector<1x16xf32> to vector<16xf32>
        %swap3A_289 = vector.shape_cast %select_n3A_283 : vector<16xf32> to vector<1x16xf32>
        tpu.vector_store %arg5[%swap3A_285, %swap3A_286], %swap3A_289 {strides = array<i32>} : memref<8x128xf32, #tpu.memory_space<vmem>>, vector<1x16xf32>,
        %eq3A_290 = arith.constant 6 : i32
        %eq3A_291 = vector.broadcast %eq3A_290 : i32 to vector<16xi32>
        %eq3A_292 = arith.cmpi eq, %select_n3A_84, %eq3A_291 : vector<16xi32>
        %eq3A_293 = arith.constant 6 : i32
        %eq3A_294 = vector.broadcast %eq3A_293 : i32 to vector<16xi32>
        %eq3A_295 = arith.cmpi eq, %select_n3A_198, %eq3A_294 : vector<16xi32>
        %select_n3A_296 = arith.select %eq3A_295, %sub3A_206, %broadcast_in_dim3A_3 : vector<16xi1>, vector<16xf32>
        %select_n3A_297 = arith.select %eq3A_292, %div3A_203, %select_n3A_296 : vector<16xi1>, vector<16xf32>
        %swap3A_298 = arith.constant 6 : i32
        %swap3A_299 = arith.index_cast %swap3A_298 : i32 to index
        %swap3A_300 = arith.index_cast %mul3A_11 : i32 to index
        %swap3A_301 = tpu.vector_load %arg5[%swap3A_299, %swap3A_300] {strides = array<i32>} : memref<8x128xf32, #tpu.memory_space<vmem>>, vector<1x16xf32>,
        %swap3A_302 = vector.shape_cast %swap3A_301 : vector<1x16xf32> to vector<16xf32>
        %swap3A_303 = vector.shape_cast %select_n3A_297 : vector<16xf32> to vector<1x16xf32>
        tpu.vector_store %arg5[%swap3A_299, %swap3A_300], %swap3A_303 {strides = array<i32>} : memref<8x128xf32, #tpu.memory_space<vmem>>, vector<1x16xf32>,
        %eq3A_304 = arith.constant 7 : i32
        %eq3A_305 = vector.broadcast %eq3A_304 : i32 to vector<16xi32>
        %eq3A_306 = arith.cmpi eq, %select_n3A_84, %eq3A_305 : vector<16xi32>
        %eq3A_307 = arith.constant 7 : i32
        %eq3A_308 = vector.broadcast %eq3A_307 : i32 to vector<16xi32>
        %eq3A_309 = arith.cmpi eq, %select_n3A_198, %eq3A_308 : vector<16xi32>
        %select_n3A_310 = arith.select %eq3A_309, %sub3A_206, %broadcast_in_dim3A_3 : vector<16xi1>, vector<16xf32>
        %select_n3A_311 = arith.select %eq3A_306, %div3A_203, %select_n3A_310 : vector<16xi1>, vector<16xf32>
        %swap3A_312 = arith.constant 7 : i32
        %swap3A_313 = arith.index_cast %swap3A_312 : i32 to index
        %swap3A_314 = arith.index_cast %mul3A_11 : i32 to index
        %swap3A_315 = tpu.vector_load %arg5[%swap3A_313, %swap3A_314] {strides = array<i32>} : memref<8x128xf32, #tpu.memory_space<vmem>>, vector<1x16xf32>,
        %swap3A_316 = vector.shape_cast %swap3A_315 : vector<1x16xf32> to vector<16xf32>
        %swap3A_317 = vector.shape_cast %select_n3A_311 : vector<16xf32> to vector<1x16xf32>
        tpu.vector_store %arg5[%swap3A_313, %swap3A_314], %swap3A_317 {strides = array<i32>} : memref<8x128xf32, #tpu.memory_space<vmem>>, vector<1x16xf32>,
      }
      %scan3A_8 = arith.constant 8 : i32
      "tpu.region"() ({
        %run_scoped3A = tpu.sem_alloc : memref<!tpu.dma_semaphore, #tpu.memory_space<semaphore_mem>>
        tpu.enqueue_dma source(%arg5 : memref<8x128xf32, #tpu.memory_space<vmem>>) target(%arg3 : memref<8x128xf32, #tpu.memory_space<hbm>>) target_semaphore(%run_scoped3A : memref<!tpu.dma_semaphore, #tpu.memory_space<semaphore_mem>>)
        tpu.wait_dma2 semaphore(%run_scoped3A : memref<!tpu.dma_semaphore, #tpu.memory_space<semaphore_mem>>) src(%arg5 : memref<8x128xf32, #tpu.memory_space<vmem>>) dst(%arg3 : memref<8x128xf32, #tpu.memory_space<hbm>>)
        tpu.yield
      }) : () -> ()
    } else {
    }
    return
  }
}

module attributes {stable_mosaic.version = 14 : i64} {
  func.func @_combine_body(%arg0: memref<8x128x768xf32, #tpu.memory_space<vmem>>, %arg1: memref<8x128xf32, #tpu.memory_space<vmem>>, %arg2: memref<128x768xf32, #tpu.memory_space<vmem>>) attributes {dimension_semantics = [], scalar_prefetch = 0 : i64, scratch_operands = 0 : i64, tpu.core_type = #tpu.core_type<tc>} {
    %get3A = arith.constant 0 : index
    %get3A_0 = arith.constant 0 : index
    %get3A_1 = vector.load %arg1[%get3A, %get3A_0] : memref<8x128xf32, #tpu.memory_space<vmem>>, vector<8x128xf32>
    %transpose3A = tpu.transpose %get3A_1, [1, 0] : vector<8x128xf32> -> vector<128x8xf32>
    %slice3A = vector.extract_strided_slice %transpose3A {offsets = [0, 0], sizes = [128, 1], strides = [1, 1]} : vector<128x8xf32> to vector<128x1xf32>
    %get3A_2 = arith.constant 0 : index
    %get3A_3 = arith.constant 0 : index
    %get3A_4 = arith.constant 0 : index
    %get3A_5 = vector.load %arg0[%get3A_2, %get3A_3, %get3A_4] : memref<8x128x768xf32, #tpu.memory_space<vmem>>, vector<1x128x768xf32>
    %get3A_6 = vector.shape_cast %get3A_5 : vector<1x128x768xf32> to vector<128x768xf32>
    %mul3A = vector.broadcast %slice3A : vector<128x1xf32> to vector<128x768xf32>
    %mul3A_7 = arith.mulf %mul3A, %get3A_6 : vector<128x768xf32>
    %slice3A_8 = vector.extract_strided_slice %transpose3A {offsets = [0, 1], sizes = [128, 1], strides = [1, 1]} : vector<128x8xf32> to vector<128x1xf32>
    %get3A_9 = arith.constant 1 : index
    %get3A_10 = arith.constant 0 : index
    %get3A_11 = arith.constant 0 : index
    %get3A_12 = vector.load %arg0[%get3A_9, %get3A_10, %get3A_11] : memref<8x128x768xf32, #tpu.memory_space<vmem>>, vector<1x128x768xf32>
    %get3A_13 = vector.shape_cast %get3A_12 : vector<1x128x768xf32> to vector<128x768xf32>
    %mul3A_14 = vector.broadcast %slice3A_8 : vector<128x1xf32> to vector<128x768xf32>
    %mul3A_15 = arith.mulf %mul3A_14, %get3A_13 : vector<128x768xf32>
    %add3A = arith.addf %mul3A_7, %mul3A_15 : vector<128x768xf32>
    %slice3A_16 = vector.extract_strided_slice %transpose3A {offsets = [0, 2], sizes = [128, 1], strides = [1, 1]} : vector<128x8xf32> to vector<128x1xf32>
    %get3A_17 = arith.constant 2 : index
    %get3A_18 = arith.constant 0 : index
    %get3A_19 = arith.constant 0 : index
    %get3A_20 = vector.load %arg0[%get3A_17, %get3A_18, %get3A_19] : memref<8x128x768xf32, #tpu.memory_space<vmem>>, vector<1x128x768xf32>
    %get3A_21 = vector.shape_cast %get3A_20 : vector<1x128x768xf32> to vector<128x768xf32>
    %mul3A_22 = vector.broadcast %slice3A_16 : vector<128x1xf32> to vector<128x768xf32>
    %mul3A_23 = arith.mulf %mul3A_22, %get3A_21 : vector<128x768xf32>
    %add3A_24 = arith.addf %add3A, %mul3A_23 : vector<128x768xf32>
    %slice3A_25 = vector.extract_strided_slice %transpose3A {offsets = [0, 3], sizes = [128, 1], strides = [1, 1]} : vector<128x8xf32> to vector<128x1xf32>
    %get3A_26 = arith.constant 3 : index
    %get3A_27 = arith.constant 0 : index
    %get3A_28 = arith.constant 0 : index
    %get3A_29 = vector.load %arg0[%get3A_26, %get3A_27, %get3A_28] : memref<8x128x768xf32, #tpu.memory_space<vmem>>, vector<1x128x768xf32>
    %get3A_30 = vector.shape_cast %get3A_29 : vector<1x128x768xf32> to vector<128x768xf32>
    %mul3A_31 = vector.broadcast %slice3A_25 : vector<128x1xf32> to vector<128x768xf32>
    %mul3A_32 = arith.mulf %mul3A_31, %get3A_30 : vector<128x768xf32>
    %add3A_33 = arith.addf %add3A_24, %mul3A_32 : vector<128x768xf32>
    %slice3A_34 = vector.extract_strided_slice %transpose3A {offsets = [0, 4], sizes = [128, 1], strides = [1, 1]} : vector<128x8xf32> to vector<128x1xf32>
    %get3A_35 = arith.constant 4 : index
    %get3A_36 = arith.constant 0 : index
    %get3A_37 = arith.constant 0 : index
    %get3A_38 = vector.load %arg0[%get3A_35, %get3A_36, %get3A_37] : memref<8x128x768xf32, #tpu.memory_space<vmem>>, vector<1x128x768xf32>
    %get3A_39 = vector.shape_cast %get3A_38 : vector<1x128x768xf32> to vector<128x768xf32>
    %mul3A_40 = vector.broadcast %slice3A_34 : vector<128x1xf32> to vector<128x768xf32>
    %mul3A_41 = arith.mulf %mul3A_40, %get3A_39 : vector<128x768xf32>
    %add3A_42 = arith.addf %add3A_33, %mul3A_41 : vector<128x768xf32>
    %slice3A_43 = vector.extract_strided_slice %transpose3A {offsets = [0, 5], sizes = [128, 1], strides = [1, 1]} : vector<128x8xf32> to vector<128x1xf32>
    %get3A_44 = arith.constant 5 : index
    %get3A_45 = arith.constant 0 : index
    %get3A_46 = arith.constant 0 : index
    %get3A_47 = vector.load %arg0[%get3A_44, %get3A_45, %get3A_46] : memref<8x128x768xf32, #tpu.memory_space<vmem>>, vector<1x128x768xf32>
    %get3A_48 = vector.shape_cast %get3A_47 : vector<1x128x768xf32> to vector<128x768xf32>
    %mul3A_49 = vector.broadcast %slice3A_43 : vector<128x1xf32> to vector<128x768xf32>
    %mul3A_50 = arith.mulf %mul3A_49, %get3A_48 : vector<128x768xf32>
    %add3A_51 = arith.addf %add3A_42, %mul3A_50 : vector<128x768xf32>
    %slice3A_52 = vector.extract_strided_slice %transpose3A {offsets = [0, 6], sizes = [128, 1], strides = [1, 1]} : vector<128x8xf32> to vector<128x1xf32>
    %get3A_53 = arith.constant 6 : index
    %get3A_54 = arith.constant 0 : index
    %get3A_55 = arith.constant 0 : index
    %get3A_56 = vector.load %arg0[%get3A_53, %get3A_54, %get3A_55] : memref<8x128x768xf32, #tpu.memory_space<vmem>>, vector<1x128x768xf32>
    %get3A_57 = vector.shape_cast %get3A_56 : vector<1x128x768xf32> to vector<128x768xf32>
    %mul3A_58 = vector.broadcast %slice3A_52 : vector<128x1xf32> to vector<128x768xf32>
    %mul3A_59 = arith.mulf %mul3A_58, %get3A_57 : vector<128x768xf32>
    %add3A_60 = arith.addf %add3A_51, %mul3A_59 : vector<128x768xf32>
    %slice3A_61 = vector.extract_strided_slice %transpose3A {offsets = [0, 7], sizes = [128, 1], strides = [1, 1]} : vector<128x8xf32> to vector<128x1xf32>
    %get3A_62 = arith.constant 7 : index
    %get3A_63 = arith.constant 0 : index
    %get3A_64 = arith.constant 0 : index
    %get3A_65 = vector.load %arg0[%get3A_62, %get3A_63, %get3A_64] : memref<8x128x768xf32, #tpu.memory_space<vmem>>, vector<1x128x768xf32>
    %get3A_66 = vector.shape_cast %get3A_65 : vector<1x128x768xf32> to vector<128x768xf32>
    %mul3A_67 = vector.broadcast %slice3A_61 : vector<128x1xf32> to vector<128x768xf32>
    %mul3A_68 = arith.mulf %mul3A_67, %get3A_66 : vector<128x768xf32>
    %add3A_69 = arith.addf %add3A_60, %mul3A_68 : vector<128x768xf32>
    %swap3A = arith.constant 0 : index
    %swap3A_70 = arith.constant 0 : index
    %swap3A_71 = vector.load %arg2[%swap3A, %swap3A_70] : memref<128x768xf32, #tpu.memory_space<vmem>>, vector<128x768xf32>
    tpu.vector_store %arg2[%swap3A, %swap3A_70], %add3A_69 {strides = array<i32>} : memref<128x768xf32, #tpu.memory_space<vmem>>, vector<128x768xf32>,
    return
  }
}

module attributes {stable_mosaic.version = 14 : i64} {
  func.func @_logits_body(%arg0: memref<128x768xf32, #tpu.memory_space<vmem>>, %arg1: memref<8x768xf32, #tpu.memory_space<vmem>>, %arg2: memref<8xf32, #tpu.memory_space<vmem>>, %arg3: memref<8x128xf32, #tpu.memory_space<vmem>>) attributes {dimension_semantics = [], scalar_prefetch = 0 : i64, scratch_operands = 0 : i64, tpu.core_type = #tpu.core_type<tc>} {
    %get3A = arith.constant 0 : index
    %get3A_0 = arith.constant 0 : index
    %get3A_1 = vector.load %arg1[%get3A, %get3A_0] : memref<8x768xf32, #tpu.memory_space<vmem>>, vector<8x768xf32>
    %get3A_2 = arith.constant 0 : index
    %get3A_3 = arith.constant 0 : index
    %get3A_4 = vector.load %arg0[%get3A_2, %get3A_3] : memref<128x768xf32, #tpu.memory_space<vmem>>, vector<128x768xf32>
    %dot_general3A = arith.constant dense<0.000000e+00> : vector<8x128xf32>
    %dot_general3A_5 = tpu.matmul %get3A_1, %get3A_4, %dot_general3A {dimension_numbers = #tpu.dot_dimension_numbers<[1], [1], [0], [0], [0, 0, 1, 0], [], []>, transpose_lhs_hint = false} : vector<8x768xf32>, vector<128x768xf32>, vector<8x128xf32> -> vector<8x128xf32>
    %get3A_6 = arith.constant 0 : index
    %get3A_7 = vector.load %arg2[%get3A_6] : memref<8xf32, #tpu.memory_space<vmem>>, vector<8xf32>
    %broadcast_in_dim3A = vector.shape_cast %get3A_7 : vector<8xf32> to vector<8x1xf32>
    %add3A = vector.broadcast %broadcast_in_dim3A : vector<8x1xf32> to vector<8x128xf32>
    %add3A_8 = arith.addf %dot_general3A_5, %add3A : vector<8x128xf32>
    %swap3A = arith.constant 0 : index
    %swap3A_9 = arith.constant 0 : index
    %swap3A_10 = vector.load %arg3[%swap3A, %swap3A_9] : memref<8x128xf32, #tpu.memory_space<vmem>>, vector<8x128xf32>
    tpu.vector_store %arg3[%swap3A, %swap3A_9], %add3A_8 {strides = array<i32>} : memref<8x128xf32, #tpu.memory_space<vmem>>, vector<8x128xf32>,
    return
  }
}

module attributes {stable_mosaic.version = 14 : i64} {
  func.func @_ffn_all_body(%arg0: i32, %arg1: memref<128x768xf32, #tpu.memory_space<vmem>>, %arg2: memref<1x768x1536xf32, #tpu.memory_space<vmem>>, %arg3: memref<8x1536xf32, #tpu.memory_space<vmem>>, %arg4: memref<1x1536x768xf32, #tpu.memory_space<vmem>>, %arg5: memref<8x768xf32, #tpu.memory_space<vmem>>, %arg6: memref<1x128x768xf32, #tpu.memory_space<vmem>>) attributes {dimension_semantics = [#tpu.dimension_semantics<arbitrary>], iteration_bounds = array<i64: 8>, scalar_prefetch = 0 : i64, scratch_operands = 0 : i64, tpu.core_type = #tpu.core_type<tc>, window_params = [{pipeline_mode = #tpu.pipeline_mode<synchronous>, transform_indices = @transform_0, window_bounds = array<i64: 128, 768>}, {transform_indices = @transform_1, window_bounds = array<i64: 1, 768, 1536>}, {pipeline_mode = #tpu.pipeline_mode<synchronous>, transform_indices = @transform_2, window_bounds = array<i64: 8, 1536>}, {transform_indices = @transform_3, window_bounds = array<i64: 1, 1536, 768>}, {pipeline_mode = #tpu.pipeline_mode<synchronous>, transform_indices = @transform_4, window_bounds = array<i64: 8, 768>}, {transform_indices = @transform_5, window_bounds = array<i64: 1, 128, 768>}]} {
    %get3A = arith.constant 0 : index
    %get3A_0 = arith.constant 0 : index
    %get3A_1 = vector.load %arg1[%get3A, %get3A_0] : memref<128x768xf32, #tpu.memory_space<vmem>>, vector<128x768xf32>
    %iota3A = tpu.iota {dimensions = array<i32: 0>} : vector<8x1536xi32>
    %eq3A = vector.broadcast %arg0 : i32 to vector<8x1536xi32>
    %eq3A_2 = arith.cmpi eq, %iota3A, %eq3A : vector<8x1536xi32>
    %get3A_3 = arith.constant 0 : index
    %get3A_4 = arith.constant 0 : index
    %get3A_5 = vector.load %arg3[%get3A_3, %get3A_4] : memref<8x1536xf32, #tpu.memory_space<vmem>>, vector<8x1536xf32>
    %jit3A = arith.constant 0.000000e+00 : f32
    %broadcast_in_dim3A = vector.broadcast %jit3A : f32 to vector<8x1536xf32>
    %select_n3A = arith.select %eq3A_2, %get3A_5, %broadcast_in_dim3A : vector<8x1536xi1>, vector<8x1536xf32>
    %reduce_sum3A = arith.constant dense<0.000000e+00> : vector<1536xf32>
    %reduce_sum3A_6 = vector.multi_reduction <add>, %select_n3A, %reduce_sum3A [0] : vector<8x1536xf32> to vector<1536xf32>
    %broadcast_in_dim3A_7 = vector.shape_cast %reduce_sum3A_6 : vector<1536xf32> to vector<1x1536xf32>
    %get3A_8 = arith.constant 0 : index
    %get3A_9 = arith.constant 0 : index
    %get3A_10 = arith.constant 0 : index
    %get3A_11 = vector.load %arg2[%get3A_8, %get3A_9, %get3A_10] : memref<1x768x1536xf32, #tpu.memory_space<vmem>>, vector<1x768x1536xf32>
    %get3A_12 = vector.shape_cast %get3A_11 : vector<1x768x1536xf32> to vector<768x1536xf32>
    %dot_general3A = arith.constant dense<0.000000e+00> : vector<128x1536xf32>
    %dot_general3A_13 = tpu.matmul %get3A_1, %get3A_12, %dot_general3A {dimension_numbers = #tpu.dot_dimension_numbers<[1], [0], [0], [1], [0, 0, 1, 1], [], []>, transpose_lhs_hint = false} : vector<128x768xf32>, vector<768x1536xf32>, vector<128x1536xf32> -> vector<128x1536xf32>
    %add3A = vector.broadcast %broadcast_in_dim3A_7 : vector<1x1536xf32> to vector<128x1536xf32>
    %add3A_14 = arith.addf %add3A, %dot_general3A_13 : vector<128x1536xf32>
    %mul3A = arith.constant 5.000000e-01 : f32
    %mul3A_15 = vector.broadcast %mul3A : f32 to vector<128x1536xf32>
    %mul3A_16 = arith.mulf %add3A_14, %mul3A_15 : vector<128x1536xf32>
    %mul3A_17 = arith.constant 0.707106769 : f32
    %mul3A_18 = vector.broadcast %mul3A_17 : f32 to vector<128x1536xf32>
    %mul3A_19 = arith.mulf %add3A_14, %mul3A_18 : vector<128x1536xf32>
    %erf3A = math.erf %mul3A_19 : vector<128x1536xf32>
    %add3A_20 = arith.constant 1.000000e+00 : f32
    %add3A_21 = vector.broadcast %add3A_20 : f32 to vector<128x1536xf32>
    %add3A_22 = arith.addf %add3A_21, %erf3A : vector<128x1536xf32>
    %mul3A_23 = arith.mulf %mul3A_16, %add3A_22 : vector<128x1536xf32>
    %iota3A_24 = tpu.iota {dimensions = array<i32: 0>} : vector<8x768xi32>
    %eq3A_25 = vector.broadcast %arg0 : i32 to vector<8x768xi32>
    %eq3A_26 = arith.cmpi eq, %iota3A_24, %eq3A_25 : vector<8x768xi32>
    %get3A_27 = arith.constant 0 : index
    %get3A_28 = arith.constant 0 : index
    %get3A_29 = vector.load %arg5[%get3A_27, %get3A_28] : memref<8x768xf32, #tpu.memory_space<vmem>>, vector<8x768xf32>
    %jit3A_30 = arith.constant 0.000000e+00 : f32
    %broadcast_in_dim3A_31 = vector.broadcast %jit3A_30 : f32 to vector<8x768xf32>
    %select_n3A_32 = arith.select %eq3A_26, %get3A_29, %broadcast_in_dim3A_31 : vector<8x768xi1>, vector<8x768xf32>
    %reduce_sum3A_33 = arith.constant dense<0.000000e+00> : vector<768xf32>
    %reduce_sum3A_34 = vector.multi_reduction <add>, %select_n3A_32, %reduce_sum3A_33 [0] : vector<8x768xf32> to vector<768xf32>
    %broadcast_in_dim3A_35 = vector.shape_cast %reduce_sum3A_34 : vector<768xf32> to vector<1x768xf32>
    %get3A_36 = arith.constant 0 : index
    %get3A_37 = arith.constant 0 : index
    %get3A_38 = arith.constant 0 : index
    %get3A_39 = vector.load %arg4[%get3A_36, %get3A_37, %get3A_38] : memref<1x1536x768xf32, #tpu.memory_space<vmem>>, vector<1x1536x768xf32>
    %get3A_40 = vector.shape_cast %get3A_39 : vector<1x1536x768xf32> to vector<1536x768xf32>
    %dot_general3A_41 = arith.constant dense<0.000000e+00> : vector<128x768xf32>
    %dot_general3A_42 = tpu.matmul %mul3A_23, %get3A_40, %dot_general3A_41 {dimension_numbers = #tpu.dot_dimension_numbers<[1], [0], [0], [1], [0, 0, 1, 1], [], []>, transpose_lhs_hint = false} : vector<128x1536xf32>, vector<1536x768xf32>, vector<128x768xf32> -> vector<128x768xf32>
    %add3A_43 = vector.broadcast %broadcast_in_dim3A_35 : vector<1x768xf32> to vector<128x768xf32>
    %add3A_44 = arith.addf %add3A_43, %dot_general3A_42 : vector<128x768xf32>
    %swap3A = arith.constant 0 : index
    %swap3A_45 = arith.constant 0 : index
    %swap3A_46 = arith.constant 0 : index
    %swap3A_47 = vector.load %arg6[%swap3A, %swap3A_45, %swap3A_46] : memref<1x128x768xf32, #tpu.memory_space<vmem>>, vector<1x128x768xf32>
    %swap3A_48 = vector.shape_cast %swap3A_47 : vector<1x128x768xf32> to vector<128x768xf32>
    %swap3A_49 = vector.shape_cast %add3A_44 : vector<128x768xf32> to vector<1x128x768xf32>
    tpu.vector_store %arg6[%swap3A, %swap3A_45, %swap3A_46], %swap3A_49 {strides = array<i32>} : memref<1x128x768xf32, #tpu.memory_space<vmem>>, vector<1x128x768xf32>,
    return
  }
  func.func @transform_0(%arg0: i32) -> (i32, i32) {
    %c0_i32 = arith.constant 0 : i32
    %c0_i32_0 = arith.constant 0 : i32
    %c0_i32_1 = arith.constant 0 : i32
    return %c0_i32, %c0_i32_0 : i32, i32
  }
  func.func @transform_1(%arg0: i32) -> (i32, i32, i32) {
    %c0_i32 = arith.constant 0 : i32
    %c0_i32_0 = arith.constant 0 : i32
    %c0_i32_1 = arith.constant 0 : i32
    return %arg0, %c0_i32, %c0_i32_0 : i32, i32, i32
  }
  func.func @transform_2(%arg0: i32) -> (i32, i32) {
    %c0_i32 = arith.constant 0 : i32
    %c0_i32_0 = arith.constant 0 : i32
    %c0_i32_1 = arith.constant 0 : i32
    return %c0_i32, %c0_i32_0 : i32, i32
  }
  func.func @transform_3(%arg0: i32) -> (i32, i32, i32) {
    %c0_i32 = arith.constant 0 : i32
    %c0_i32_0 = arith.constant 0 : i32
    %c0_i32_1 = arith.constant 0 : i32
    return %arg0, %c0_i32, %c0_i32_0 : i32, i32, i32
  }
  func.func @transform_4(%arg0: i32) -> (i32, i32) {
    %c0_i32 = arith.constant 0 : i32
    %c0_i32_0 = arith.constant 0 : i32
    %c0_i32_1 = arith.constant 0 : i32
    return %c0_i32, %c0_i32_0 : i32, i32
  }
  func.func @transform_5(%arg0: i32) -> (i32, i32, i32) {
    %c0_i32 = arith.constant 0 : i32
    %c0_i32_0 = arith.constant 0 : i32
    %c0_i32_1 = arith.constant 0 : i32
    return %arg0, %c0_i32, %c0_i32_0 : i32, i32, i32
  }
}

</mosaic_0001>

<sc_bundles>
// kernel: kernel.6.cloned.1.call-start
scs
__scs_entry_jumppad:
0x0: {  	(pc) =	sbr.rel $0x88, $3  }
0x1: {  	(tag) =	ssettag $0x0;
	lr =	simm.s32 $0x1  }
0x2: {  	[smem:$0x3F9A] =	sst lr;
	_ =	strace $0xD0000000  }
0x3: {  	_ = 	snop  }
0x4: {  	_ = 	snop  }
0x5: {  	_ = 	snop  }
0x6: {  	_ = 	snop  }
0x7: {  	_ = 	snop  }
__scs_overlays_trampoline_lowered:
0x8: {  	[smem:$0x3FA9] =	sst s0  }
0x9: {  	[smem:$0x3FAA] =	sst s1  }
0xa: {  	[smem:$0x3FAB] =	sst s2  }
0xb: {  	[smem:$0x3FAC] =	sst s3  }
0xc: {  	[smem:$0x3FAD] =	sst s4  }
0xd: {  	[smem:$0x3FAE] =	sst s5  }
0xe: {  	[smem:$0x3FAF] =	sst s6  }
0xf: {  	[smem:$0x3FB0] =	sst s7  }
0x10: {  	[smem:$0x3FB1] =	sst s8  }
0x11: {  	[smem:$0x3FB2] =	sst s9;
	s0 =	simm.s32 @!p0 $0x0  }
0x12: {  	s1 =	sld [smem:$0x3F98];
	s0 =	simm.s32 @p0 $0x1  }
0x13: {  	[smem:$0x3FB3] =	sst s0;
	s0 =	simm.s32 @!p1 $0x0  }
0x14: {  	s2 =	sld [smem:$0x3F97];
	s0 =	simm.s32 @p1 $0x1  }
0x15: {  	[smem:$0x3FB4] =	sst s0;
	s0 =	simm.s32 @!p2 $0x0  }
0x16: {  	s3 =	sld [smem:$0x3FDB];
	s0 =	simm.s32 @p2 $0x1  }
0x17: {  	s4 =	simm.s32 $0x1BF5;
	[smem:$0x3FB6] =	sst s0  }
0x18: {  	s0 =	sld [smem:$0x3F99];
	_ =	swait.ge [sflag:s4], $0x0  }
0x19: {  	s7 =	sld [smem:$0x3F9A]  }
0x1a: {  	s8 =	sadd.s32 $0xFFFFE003, lr  }
0x1b: {  	s9 =	sadd.s32 $0xFFFFFEF7, lr;
	s5 =	simm.s32 $0xFFFFFFFF;
	p2 =	slt.u32 s8, $0xFFFFF086  }
0x1c: {  	p1 =	slt.u32 s9, $0xF7A;
	s5 =	simm.s32 @!p2 $0x0  }
0x1d: {  	s5 =	simm.s32 @p1 $0x1;
	p0 =	seq.s32 s7, s2  }
0x1e: {  	s7 =	smul.u32 @!p0 $0xF7A, s2;
	p2 =	seq.s32 @!p0 s5, $0x0  }
0x1f: {  	s9 =	smul.u32 $0xF7A, s1;
	s8 =	simm.s32 @!p0 $0x1BF5;
	p2 =	por !p2, p0  }
0x20: {  	[sflag:s8] =	ssyncset.s32 @!p0 $0xFFFFF086;
	s6 =	sadd.s32 @!p0 s3, s7;
	s7 =	simm.s32 @!p0 $0x108  }
0x21: {  	s3 =	sadd.s32 s3, s9;
	s6 =	sadd.s32 @!p0 $0x88, s6;
	s7 =	simm.s32 @p2 $0x1082  }
0x22: {  	[simem:s7], [sflag:s8] =	dma.local @!p0 [hbm:s6], $0xF7A  }
0x23: {  	s9 =	sor.u32 $0xD0000000, s2;
	s6 =	simm.s32 $0x108;
	_ =	swait.ge @!p0 [sflag:s8], $0x0  }
0x24: {  	s3 =	sadd.s32 $0x88, s3;
	s6 =	simm.s32 @!p1 $0x1082;
	[sflag:s4] =	ssyncset.s32 $0xFFFFF086  }
0x25: {  	[simem:s6], [sflag:s4] =	dma.local [hbm:s3], $0xF7A  }
0x26: {  	[smem:$0x3F9A] =	sst s1;
	(tag) =	ssettag s2;
	_ =	strace s9  }
0x27: {  	s1 =	sld [smem:$0x3FAA]  }
0x28: {  	s2 =	sld [smem:$0x3FAB]  }
0x29: {  	s4 =	sld [smem:$0x3FAD]  }
0x2a: {  	p0 =	seq.s32 s5, $0x0;
	s5 =	sld [smem:$0x3FAE]  }
0x2b: {  	s6 =	sld [smem:$0x3FAF]  }
0x2c: {  	s7 =	sld [smem:$0x3FB0]  }
0x2d: {  	s3 =	simm.s32 $0x108;
	s8 =	sld [smem:$0x3FB1]  }
0x2e: {  	s3 =	simm.s32 @!p0 $0x1082;
	s9 =	sld [smem:$0x3FB2]  }
0x2f: {  	lr =	sadd.s32 s0, s3;
	s0 =	sld [smem:$0x3FA9]  }
0x30: {  	s3 =	sld [smem:$0x3FAC]  }
0x31: {  	[smem:$0x3FB5] =	sst s10  }
0x32: {  	s10 =	sld [smem:$0x3FB3];
	_ =	sdelay $0x3  }
0x33: {  	p0 =	seq.s32 s10, $0x1;
	s10 =	sld [smem:$0x3FB5];
	_ =	sdelay $0x3  }
0x34: {  	[smem:$0x3FB5] =	sst s10  }
0x35: {  	s10 =	sld [smem:$0x3FB4];
	_ =	sdelay $0x3  }
0x36: {  	p1 =	seq.s32 s10, $0x1;
	s10 =	sld [smem:$0x3FB5];
	_ =	sdelay $0x3  }
0x37: {  	[smem:$0x3FB5] =	sst s10  }
0x38: {  	s10 =	sld [smem:$0x3FB6]  }
0x39: {  	_ = 	snop;
	(pc) =	sbr.ind lr, $3  }
0x3a: {  	_ = 	snop  }
0x3b: {  	_ = 	snop  }
0x3c: {  	p2 =	seq.s32 s10, $0x1;
	s10 =	sld [smem:$0x3FB5]  }
0x3d: {  	_ =	shalt  }
0x3e: {  	_ =	shalt  }
0x3f: {  	_ =	shalt  }
0x40: {  	_ =	shalt  }
0x41: {  	_ =	shalt  }
0x42: {  	_ =	shalt  }
0x43: {  	_ =	shalt  }
0x44: {  	_ =	shalt  }
0x45: {  	_ =	shalt  }
0x46: {  	_ =	shalt  }
0x47: {  	_ =	shalt  }
0x48: {  	_ =	shalt  }
0x49: {  	_ =	shalt  }
0x4a: {  	_ =	shalt  }
0x4b: {  	_ =	shalt  }
0x4c: {  	_ =	shalt  }
0x4d: {  	_ =	shalt  }
0x4e: {  	_ =	shalt  }
0x4f: {  	_ =	shalt  }
0x50: {  	_ =	shalt  }
0x51: {  	_ =	shalt  }
0x52: {  	_ =	shalt  }
0x53: {  	_ =	shalt  }
0x54: {  	_ =	shalt  }
0x55: {  	_ =	shalt  }
0x56: {  	_ =	shalt  }
0x57: {  	_ =	shalt  }
0x58: {  	_ =	shalt  }
0x59: {  	_ =	shalt  }
0x5a: {  	_ =	shalt  }
0x5b: {  	_ =	shalt  }
0x5c: {  	_ =	shalt  }
0x5d: {  	_ =	shalt  }
0x5e: {  	_ =	shalt  }
0x5f: {  	_ =	shalt  }
0x60: {  	_ =	shalt  }
0x61: {  	_ =	shalt  }
0x62: {  	_ =	shalt  }
0x63: {  	_ =	shalt  }
0x64: {  	_ =	shalt  }
0x65: {  	_ =	shalt  }
0x66: {  	_ =	shalt  }
0x67: {  	_ =	shalt  }
0x68: {  	_ =	shalt  }
0x69: {  	_ =	shalt  }
0x6a: {  	_ =	shalt  }
0x6b: {  	_ =	shalt  }
0x6c: {  	_ =	shalt  }
0x6d: {  	_ =	shalt  }
0x6e: {  	_ =	shalt  }
0x6f: {  	_ =	shalt  }
0x70: {  	_ =	shalt  }
0x71: {  	_ =	shalt  }
0x72: {  	_ =	shalt  }
0x73: {  	_ =	shalt  }
0x74: {  	_ =	shalt  }
0x75: {  	_ =	shalt  }
0x76: {  	_ =	shalt  }
0x77: {  	_ =	shalt  }
0x78: {  	_ =	shalt  }
0x79: {  	_ =	shalt  }
0x7a: {  	_ =	shalt  }
0x7b: {  	_ =	shalt  }
0x7c: {  	_ =	shalt  }
0x7d: {  	_ =	shalt  }
0x7e: {  	_ =	shalt  }
0x7f: {  	_ =	shalt  }
0x80: {  	_ =	shalt  }
0x81: {  	_ =	shalt  }
0x82: {  	_ =	shalt  }
0x83: {  	_ =	shalt  }
0x84: {  	_ =	shalt  }
0x85: {  	_ =	shalt  }
0x86: {  	_ =	shalt  }
0x87: {  	_ =	shalt  }
.Lfunc_end0:
.L_simem_size_0:
called_computation_lowered:
.L_overlay_start_0:
0x88: {  	s2 =	sld [smem:$0x3FD9]  }
0x89: {  	s3 =	sld [smem:$0x3FFE];
	_ =	sdelay $0x1  }
0x8a: {  	s1 =	srdreg.scid  }
0x8b: {  	s0 =	sand.u32 $0x1, s1  }
0x8c: {  	s17 =	sshll.u32 s0, $0xA;
	s2 =	sadd.s32 s3, s2  }
0x8d: {  	s2 =	sadd.s32 s2, s17  }
0x8e: {  	[smem:$0x3FC1] =	sst s2  }
0x8f: {  	_ = 	snop  }
0x90: {  	s2 =	sld [smem:$0x3FD0];
	(tm) =	ssettm $0x1  }
0x91: {  	s18 =	sld [smem:$0x3FFB];
	_ =	sdelay $0x3  }
0x92: {  	_ =	strace s18  }
0x93: {  	s3 =	sld [smem:$0x3FFC];
	_ =	sdelay $0x3  }
0x94: {  	_ =	strace s3  }
0x95: {  	s3 =	sld [smem:$0x3FFD];
	_ =	sdelay $0x3  }
0x96: {  	_ =	strace s3  }
0x97: {  	_ =	strace $0x8FFFFFFF  }
0x98: {  	s19 =	sld [smem:$0x3FDB];
	_ =	sdelay $0x1  }
0x99: {  	s4 =	simm.s32 $_scs_section_size  }
0x9a: {  	s5 =	simm.s32 $_size__tile_overlayer_lowered;
	s6 =	simm.s32 $_tile_overlayer_lowered  }
0x9b: {  	s22 =	simm.s32 $0x1BFF;
	s21 =	sshll.u32 s6, $0x1;
	s3 =	sadd.s32 s4, s19  }
0x9c: {  	s7 =	simm.s32 $0x0;
	s20 =	sshll.u32 s5, $0x1;
	s5 =	sadd.s32 s21, s3  }
0x9d: {  	[timem:s7], [sflag:s22] =	dma.local [hbm:s5], s20  }
0x9e: {  	_ =	swait.ge [sflag:s22], s20  }
0x9f: {  	s4 =	ssub.s32 $0x0, s20;
	[sflag:s22] =	ssyncset.done $0x0  }
0xa0: {  	[sflag:s22] =	ssyncadd.s32 s4;
	_ =	sdelay $0x1  }
0xa1: {  	s23 =	simm.s32 $0x1B8B  }
0xa2: {  	_ =	swait.ge [sflag:s23], $0x1  }
0xa3: {  	[sflag:s23] =	ssyncset.done $0x0  }
0xa4: {  	s25 =	simm.s32 $0x1B8E;
	s24 =	sld [smem:$0x3FFE];
	[sflag:s23] =	ssyncadd.s32 $0xFFFFFFFF  }
0xa5: {  	s26 =	simm.s32 $execute0_lowered;
	[smem:$0x3FD2] =	sst s25  }
0xa6: {  	s5 =	sshll.u32 s26, $0x1;
	_ =	strace $0x80000046;
	[dreg:$0x1] =	wrdreg $0xFFFFFFFF  }
0xa7: {  	s28 =	simm.s32 $_size_execute0_lowered;
	s3 =	sadd.s32 s3, s5;
	[dreg:$0x0] =	wrdreg $0x0  }
0xa8: {  	s5 =	sshll.u32 s28, $0x1;
	[dreg:$0x2] =	wrdreg s3  }
0xa9: {  	[dreg:$0x3] =	wrdreg s5  }
0xaa: {  	[dreg:$0x4] =	wrdreg $0xC0  }
0xab: {  	_ =	task [dreg:s7], $0x5FFFF  }
0xac: {  	[dreg:$0x1] =	wrdreg $0xFFFFFFFF  }
0xad: {  	[dreg:$0x0] =	wrdreg $0x60  }
0xae: {  	[dreg:$0x2] =	wrdreg s2  }
0xaf: {  	[dreg:$0x3] =	wrdreg s24  }
0xb0: {  	[dreg:$0x4] =	wrdreg $0x9  }
0xb1: {  	_ =	task.clear_ibuf [dreg:s7], $0x5FFFF;
	_ =	strace $0x90000046  }
0xb2: {  	s29 =	simm.s32 $0x9;
	_ =	strace $0x80000048  }
0xb3: {  	_ =	swait.ge [sflag:s29], $0x1  }
0xb4: {  	[sflag:s29] =	ssyncadd.s32 $0xFFFFFFFF  }
0xb5: {  	_ =	strace $0x90000048  }
0xb6: {  	_ =	sfence  }
0xb7: {  	s30 =	sld [smem:$0x0];
	_ =	sdelay $0x2  }
0xb8: {  	s31 =	sshll.u32 s1, $0xD;
	s1 =	sshrl.u32 s1, $0x2  }
0xb9: {  	s3 =	sand.u32 $0x4000, s31;
	s1 =	sadd.s32 s1, s30  }
0xba: {  	s0 =	sor.u32 s3, s0;
	s1 =	sshll.u32 s1, $0x11  }
0xbb: {  	s0 =	sor.u32 s1, s0  }
0xbc: {  	s0 =	sadd.s32 $0x8F2B, s0  }
0xbd: {  	[sflag:s0] =	ssyncadd.remote.s32 $0x1  }
0xbe: {  	_ =	sfence.sel $0xFFFF  }
0xbf: {  	[dreg:$0x0] =	wrdreg $0xFFFFFFFF;
	(pc) =	sbr.abs _section_cstart, $3  }
0xc0: {  	[dreg:$0x1] =	wrdreg $0xFFFFFFFF  }
0xc1: {  	_ =	task.clear_ibuf [dreg:s7], $0x2FFFF;
	_ =	strace $0x9FFFFFFF  }
0xc2: {  	(tm) =	ssettm $0x7FFFFFFF  }
0xc3: {  	_ =	shalt  }
tec
execute0_lowered:
.L_overlay_start_1:
0x0: {  	(tag) =	ssettag $0x1  }
0x1: {  	s0 =	srdreg.scid  }
0x2: {  	s4 =	sand.u32 $0x1, s0;
	s0 =	stileid.u32  }
0x3: {  	s5 =	sshll.u32 s0, $0x1;
	s6 =	ssub.s32 $0x0, s4  }
0x4: {  	p0 =	sne.s32 s5, s6  }
.Ltmp0:
0x5: {  	_ = 	snop;
	(pc) =	sbr.rel @p0 .LBB2_5-.Ltmp0, $4  }
0x6: {  	_ = 	snop  }
0x7: {  	s2 =	rddreg [dreg:$0x0]  }
0x8: {  	s3 =	rddreg [dreg:$0x1]  }
0x9: {  	s1 =	rddreg [dreg:$0x2];
	_ =	strace $0x80000047  }
0xa: {  	s4 =	ssub.s32 $0x2, s4  }
0xb: {  	s3 =	sadd.s32 $0x1400, s3;
	s5 =	sshrl.u32 s4, $0x1  }
0xc: {  	s6 =	simm.s32 $0x1;
	s7 =	simm.s32 $0x400;
	s4 =	ssub.s32 s4, s5  }
0xd: {  	v0 =	vimm.s32 $0x0;
	s8 =	simm.s32 $0x0;
	s5 =	simm.s32 $0x0;
	s4 =	smax.u32 s4, $0x1  }
.LBB2_2:
0xe: {  	[tilespmem:s5], [sflag:$0x1] =	stream.linear.gather [hbm4b:s2+s5], $0x400, $0x38;
	[tilespmem:$0x800] =	vst v63  }
0xf: {  	_ =	swait.ge [sflag:s6], $0x400  }
0x10: {  	[sflag:s6] =	ssyncset.done $0x0  }
0x11: {  	s9 =	simm.s32 $0xFFFFFF80;
	[sflag:s6] =	ssyncadd.s32 $0xFFFFFC00  }
0x12: {  	v1 =	vld [tilespmem:s9+$0x80]  }
0x13: {  	v2 =	vld [tilespmem:s9+$0x100];
	_ =	sdelay $0x1  }
0x14: {  	v3 =	vld [tilespmem:s9+$0x180];
	_ =	sdelay $0x1  }
0x15: {  	v4 =	vld [tilespmem:s9+$0x200]  }
0x16: {  	vm0 =	vgt.f32 v2, v1  }
0x17: {  	v6 =	vld [tilespmem:s9+$0x280];
	v5 =	vsel vm0, v2, v1  }
0x18: {  	vm1 =	vgt.f32 v3, v5  }
0x19: {  	v7 =	vld [tilespmem:s9+$0x300];
	v5 =	vsel vm1, v3, v5  }
0x1a: {  	vm2 =	vgt.f32 v4, v5  }
0x1b: {  	v8 =	vld [tilespmem:s9+$0x380];
	v5 =	vsel vm2, v4, v5  }
0x1c: {  	vm3 =	vgt.f32 v6, v5  }
0x1d: {  	v9 =	vld [tilespmem:s9+$0x400];
	v5 =	vsel vm3, v6, v5  }
0x1e: {  	v10 =	vsel vm0, $0x1, v0;
	vm4 =	vgt.f32 v7, v5  }
0x1f: {  	v10 =	vsel vm1, $0x2, v10;
	v5 =	vsel vm4, v7, v5  }
0x20: {  	v10 =	vsel vm2, $0x3, v10;
	vm0 =	vgt.f32 v8, v5  }
0x21: {  	v10 =	vsel vm3, $0x4, v10;
	v5 =	vsel vm0, v8, v5  }
0x22: {  	v10 =	vsel vm4, $0x5, v10;
	vm1 =	vgt.f32 v9, v5  }
0x23: {  	v10 =	vsel vm0, $0x6, v10;
	vm1 =	vmneg vm1  }
0x24: {  	vm2 =	vlt.f32 v1, $-Inf;
	vm3 =	vgt.f32 v1, $-Inf;
	v11 =	vnsel vm1, $0x7, v10  }
0x25: {  	vm2 =	vmor vm3, vm2;
	vm3 =	vne.s32 v11, $0x0  }
0x26: {  	vm2 =	vmand vm2, vm3  }
0x27: {  	v1 =	vnsel vm2, $0xFF800000, v1  }
0x28: {  	vm2 =	vne.s32 v11, $0x1;
	vm3 =	vgt.f32 v2, v1  }
0x29: {  	vm3 =	vmand vm2, vm3  }
0x2a: {  	v1 =	vsel vm3, v2, v1  }
0x2b: {  	vm2 =	vne.s32 v11, $0x2;
	vm4 =	vgt.f32 v3, v1  }
0x2c: {  	s10 =	simm.s32 $0xFFFFFF90;
	vm4 =	vmand vm2, vm4  }
0x2d: {  	v10 =	vld [tilespmem:s10+$0x100];
	v1 =	vsel vm4, v3, v1  }
0x2e: {  	v2 =	vld [tilespmem:s10+$0x80];
	vm2 =	vne.s32 v11, $0x3;
	vm5 =	vgt.f32 v4, v1  }
0x2f: {  	s11 =	simm.s32 $0xFFFFFFA0;
	v12 =	vld [tilespmem:s10+$0x180];
	vm6 =	vmand vm2, vm5  }
0x30: {  	v18 =	vld [tilespmem:s11+$0x80];
	v1 =	vsel vm6, v4, v1  }
0x31: {  	vm2 =	vne.s32 v11, $0x4;
	vm5 =	vgt.f32 v6, v1  }
0x32: {  	v13 =	vld [tilespmem:s10+$0x200];
	vm7 =	vmand vm2, vm5  }
0x33: {  	vm9 =	vgt.f32 v10, v2;
	v1 =	vsel vm7, v6, v1  }
0x34: {  	v15 =	vld [tilespmem:s10+$0x280];
	v3 =	vsel vm9, v10, v2;
	vm2 =	vne.s32 v11, $0x5;
	vm8 =	vgt.f32 v7, v1  }
0x35: {  	vm13 =	vgt.f32 v18, $-Inf;
	vm5 =	vgt.f32 v12, v3;
	vm8 =	vmand vm2, vm8  }
0x36: {  	v16 =	vld [tilespmem:s10+$0x300];
	vm1 =	vmmov vm1;
	v3 =	vsel vm5, v12, v3;
	v1 =	vsel vm8, v7, v1  }
0x37: {  	v4 =	vsel vm9, $0x1, v0;
	vm10 =	vgt.f32 v13, v3;
	vm9 =	vgt.f32 v8, v1  }
0x38: {  	v14 =	vld [tilespmem:s10+$0x380];
	v3 =	vsel vm10, v13, v3;
	vm2 =	vmand vm0, vm1;
	vm0 =	vmneg vm9  }
0x39: {  	v4 =	vsel vm5, $0x2, v4;
	vm11 =	vgt.f32 v15, v3;
	vm5 =	vmor vm2, vm0  }
0x3a: {  	v5 =	vsel vm1, v5, v9;
	v6 =	vsel vm11, v15, v3;
	v3 =	vld [tilespmem:s10+$0x400];
	v1 =	vsel vm5, v1, v8  }
0x3b: {  	vm12 =	vmmov vm1;
	vm9 =	vgt.f32 v16, v6;
	vm0 =	vgt.f32 v9, v1  }
0x3c: {  	v4 =	vsel vm10, $0x3, v4;
	v6 =	vsel vm9, v16, v6;
	vm0 =	vmand vm12, vm0  }
0x3d: {  	v7 =	vimm.s32 $0x0;
	vm1 =	vgt.f32 v14, v6;
	v1 =	vsel vm0, v9, v1  }
0x3e: {  	v4 =	vsel vm11, $0x4, v4;
	v17 =	vsel vm1, v14, v6;
	v5 =	vsub.f32 v1, v5  }
0x3f: {  	v7 =	vsel vm12, $0xFFFFFFFF, v7;
	v4 =	vsel vm9, $0x5, v4;
	vm9 =	vgt.f32 v3, v17  }
0x40: {  	vm10 =	vmneg vm9;
	v1 =	vsel vm1, $0x6, v4;
	v4 =	vmul.f32 $1.442695020e+00, v5  }
0x41: {  	v19 =	vld [tilespmem:s11+$0x100];
	vm11 =	vlt.f32 v2, $-Inf;
	vm9 =	vgt.f32 v2, $-Inf;
	v1 =	vnsel vm10, $0x7, v1  }
0x42: {  	vm9 =	vmor vm9, vm11;
	vm11 =	vne.s32 v1, $0x0;
	(erf) = vpow2.f32 v4  }
0x43: {  	v20 =	vld [tilespmem:s11+$0x180];
	vm2 =	vmmov vm2;
	vm12 =	vlt.f32 v18, $-Inf;
	vm9 =	vmand vm9, vm11  }
0x44: {  	vm12 =	vmor vm13, vm12;
	v2 =	vnsel vm9, $0xFF800000, v2;
	v4 =	vsel vm3, $0x1, v0  }
0x45: {  	vm3 =	vne.s32 v1, $0x1;
	vm9 =	vgt.f32 v10, v2;
	v5 =	vsel vm4, $0x2, v4  }
0x46: {  	v4 =	vld [tilespmem:s11+$0x200];
	vm4 =	vne.s32 v1, $0x2;
	vm9 =	vmand vm3, vm9;
	vm3 =	vgt.f32 v19, v18  }
0x47: {  	[tilespmem:$0x1FF60] =	vst v7;
	v6 =	vsel vm6, $0x3, v5;
	v2 =	vsel vm9, v10, v2;
	v7 =	vsel vm3, v19, v18  }
0x48: {  	v5 =	vld [tilespmem:s11+$0x280];
	v6 =	vsel vm7, $0x4, v6;
	vm6 =	vgt.f32 v12, v2;
	vm11 =	vgt.f32 v20, v7  }
0x49: {  	v6 =	vsel vm8, $0x5, v6;
	vm6 =	vmand vm4, vm6;
	vm4 =	vne.s32 v1, $0x3  }
0x4a: {  	v8 =	vnsel vm5, $0x6, v6;
	v12 =	vsel vm6, v12, v2;
	v2 =	vsel vm11, v20, v7  }
0x4b: {  	vm5 =	vmor vm0, vm5;
	v21 =	vsel vm0, $0x7, v8;
	vm8 =	vgt.f32 v4, v2;
	v9 =	vpop (erf)  }
0x4c: {  	v7 =	vld [tilespmem:s11+$0x300];
	vm7 =	vgt.f32 v13, v12;
	v2 =	vsel vm8, v4, v2;
	v10 =	vadd.f32 $1.000000000e+00, v9  }
0x4d: {  	vm7 =	vmand vm4, vm7;
	vm4 =	vmmov vm10;
	vm10 =	vgt.f32 v5, v2  }
0x4e: {  	v6 =	vld [tilespmem:s11+$0x380];
	v12 =	vsel vm7, v13, v12;
	(erf) = vrcp.f32 v10;
	v10 =	vsel vm3, $0x1, v0  }
0x4f: {  	v13 =	vsel vm9, $0x1, v0;
	vm9 =	vne.s32 v1, $0x5;
	v10 =	vsel vm11, $0x2, v10  }
0x50: {  	v2 =	vsel vm10, v5, v2;
	v8 =	vsel vm8, $0x3, v10;
	v10 =	vimm.s32 $0x0  }
0x51: {  	v9 =	vld [tilespmem:s11+$0x400];
	v13 =	vsel vm6, $0x2, v13;
	vm14 =	vgt.f32 v7, v2;
	v10 =	vsel vm5, $0xFFFFFFFF, v10  }
0x52: {  	v2 =	vsel vm14, v7, v2;
	[tilespmem:$0x1FF70] =	vst v10;
	v10 =	vsel vm4, v17, v3;
	v17 =	vimm.s32 $0x0  }
0x53: {  	vm6 =	vgt.f32 v15, v12;
	vm3 =	vgt.f32 v6, v2;
	v17 =	vsel vm2, $0xFFFFFFFF, v17  }
0x54: {  	v22 =	vsel vm10, $0x4, v8;
	vm2 =	veq.s32 v11, $0x3;
	[tilespmem:$0x1FF80] =	vst v17;
	v17 =	vimm.s32 $0x0  }
0x55: {  	v8 =	vsel vm3, v6, v2;
	v2 =	vsel vm14, $0x5, v22;
	v17 =	vsel vm2, $0xFFFFFFFF, v17  }
0x56: {  	vm5 =	vgt.f32 v9, v8;
	vm2 =	veq.s32 v11, $0x2;
	[tilespmem:$0x1FF90] =	vst v17;
	v17 =	vimm.s32 $0x0  }
0x57: {  	v2 =	vsel vm3, $0x6, v2;
	vm5 =	vmneg vm5;
	v17 =	vsel vm2, $0xFFFFFFFF, v17  }
0x58: {  	v2 =	vnsel vm5, $0x7, v2;
	vm2 =	veq.s32 v11, $0x4;
	[tilespmem:$0x1FFA0] =	vst v17;
	v17 =	vimm.s32 $0x0  }
0x59: {  	v13 =	vsel vm7, $0x3, v13;
	v17 =	vsel vm2, $0xFFFFFFFF, v17;
	vm2 =	vne.s32 v2, $0x0  }
0x5a: {  	vm8 =	vne.s32 v1, $0x4;
	vm7 =	vne.s32 v2, $0x2;
	vm2 =	vmand vm12, vm2  }
0x5b: {  	[tilespmem:$0x1FFB0] =	vst v17;
	vm12 =	vmand vm1, vm4;
	v17 =	vnsel vm2, $0xFF800000, v18;
	vm2 =	vmand vm8, vm6  }
0x5c: {  	vm6 =	vne.s32 v2, $0x1;
	vm8 =	vgt.f32 v19, v17;
	v12 =	vsel vm2, v15, v12  }
0x5d: {  	v15 =	vimm.s32 $0x0;
	v18 =	vsel vm2, $0x4, v13;
	vm8 =	vmand vm6, vm8  }
0x5e: {  	vm6 =	vgt.f32 v16, v12;
	v15 =	vsel vm8, $0xFFFFFFFF, v15;
	v17 =	vsel vm8, v19, v17  }
0x5f: {  	v13 =	vpop (erf);
	vm6 =	vmand vm9, vm6;
	vm9 =	veq.s32 v21, $0x1;
	vm8 =	vgt.f32 v20, v17  }
0x60: {  	[tilespmem:$0x1FFC0] =	vst v15;
	v19 =	vsel vm6, v16, v12;
	v15 =	vsub.f32 $1.000000000e+00, v13;
	v12 =	vimm.s32 $0x0  }
0x61: {  	v16 =	vsel vm6, $0x5, v18;
	v18 =	vimm.s32 $0x0;
	vm7 =	vmand vm7, vm8  }
0x62: {  	vm2 =	vgt.f32 v14, v19;
	vm8 =	veq.s32 v21, $0x5;
	v12 =	vsel vm7, $0xFFFFFFFF, v12  }
0x63: {  	vm1 =	vmneg vm2;
	vm2 =	veq.s32 v11, $0x0;
	[tilespmem:$0x1FFD0] =	vst v12;
	v12 =	vsel vm7, v20, v17  }
0x64: {  	vm7 =	vne.s32 v2, $0x3;
	v17 =	vimm.s32 $0x0;
	vm15 =	vmor vm12, vm1  }
0x65: {  	vm1 =	veq.s32 v21, $0x0;
	vm6 =	vgt.f32 v4, v12;
	v17 =	vsel vm2, $0xFFFFFFFF, v17  }
0x66: {  	v14 =	vsel vm15, v19, v14;
	[tilespmem:$0x1FFE0] =	vst v17;
	v17 =	vnsel vm0, $0x0, v15;
	vm0 =	veq.s32 v11, $0x5  }
0x67: {  	vm2 =	veq.s32 v21, $0x3;
	vm11 =	vmand vm7, vm6;
	v18 =	vsel vm0, $0xFFFFFFFF, v18  }
0x68: {  	s12 =	simm.s32 $0xFFFFFEC0;
	vm6 =	veq.s32 v11, $0x1;
	vm7 =	veq.s32 v21, $0x2;
	vm0 =	veq.s32 v21, $0x4;
	[tilespmem:$0x1FFF0] =	vst v18  }
.LBB2_3:
0x69: {  	v18 =	vld [tilespmem:$0x1FF60];
	_ =	sdelay $0x4  }
0x6a: {  	v11 =	vnsel vm15, $0x6, v16;
	vm14 =	vgt.f32 v3, v14;
	vm10 =	vnez.u8 v18  }
0x6b: {  	v16 =	vnsel vm9, $0x0, v15;
	vm9 =	vmmov vm10;
	vm10 =	vmmov vm4  }
0x6c: {  	vm14 =	vmand vm10, vm14  }
0x6d: {  	v14 =	vsel vm14, v3, v14  }
0x6e: {  	v3 =	vmov v9;
	v9 =	vsub.f32 v14, v10;
	v10 =	vld [tilespmem:$0x1FFE0]  }
0x6f: {  	v58 =	vld [tilespmem:$0x1FF80]  }
0x70: {  	s13 =	sshra.s32 s12, $0x2;
	v19 =	vimm.s32 $0x0;
	v22 =	vld [tilespmem:$0x1FFA0]  }
0x71: {  	v18 =	vld [tilespmem:s13+$0x80];
	v19 =	vsel vm10, $0xFFFFFFFF, v19  }
0x72: {  	v16 =	vsel vm6, v13, v16;
	[tilespmem:$0x1FF60] =	vst v19;
	v14 =	vld [tilespmem:$0x1FF70]  }
0x73: {  	v20 =	vnsel vm1, $0x0, v15;
	v17 =	vsel vm9, v17, v13;
	v19 =	vld [tilespmem:s13+$0x100];
	[tilespmem:s9+$0x500] =	vst v16;
	vm1 =	vnez.u8 v10  }
0x74: {  	v21 =	vld [tilespmem:$0x1FFF0];
	[tilespmem:s9+$0x800] =	vst v17;
	v10 =	vsel vm1, v13, v20  }
0x75: {  	v57 =	vnsel vm2, $0x0, v15;
	vm2 =	vnez.u8 v22;
	v17 =	vld [tilespmem:s13+$0x180];
	[tilespmem:s9+$0x480] =	vst v10;
	v10 =	vnsel vm7, $0x0, v15  }
0x76: {  	v59 =	vld [tilespmem:s13+$0x200];
	v10 =	vsel vm2, v13, v10  }
0x77: {  	v16 =	vnsel vm8, $0x0, v15;
	v9 =	vmul.f32 $1.442695020e+00, v9;
	vm1 =	vnez.u8 v14;
	[tilespmem:s9+$0x580] =	vst v10;
	v10 =	vld [tilespmem:$0x1FFB0]  }
0x78: {  	v14 =	vsel vm1, $0x0, v15;
	v15 =	vnsel vm0, $0x0, v15;
	vm0 =	vnez.u8 v58  }
0x79: {  	vm1 =	vnez.u8 v21;
	v14 =	vsel vm0, v13, v14  }
0x7a: {  	(erf) = vpow2.f32 v9;
	v16 =	vsel vm1, v13, v16;
	[tilespmem:s9+$0x780] =	vst v14  }
0x7b: {  	vm0 =	vlt.f32 v18, $-Inf;
	vm1 =	vgt.f32 v18, $-Inf;
	vm2 =	vgt.f32 v19, v18;
	v14 =	vld [tilespmem:s13+$0x280]  }
0x7c: {  	vm1 =	vmor vm1, vm0;
	v9 =	vsel vm2, v19, v18;
	[tilespmem:s9+$0x700] =	vst v16;
	v16 =	vld [tilespmem:$0x1FF90];
	vm0 =	vnez.u8 v10  }
0x7d: {  	v10 =	vsel vm0, v13, v15;
	vm0 =	vgt.f32 v17, v9  }
0x7e: {  	v15 =	vsel vm2, $0x1, v0;
	v9 =	vsel vm0, v17, v9  }
0x7f: {  	[tilespmem:s9+$0x680] =	vst v10;
	v15 =	vsel vm0, $0x2, v15;
	vm0 =	vmor vm14, vm15;
	v10 =	vimm.s32 $0x0  }
0x80: {  	v10 =	vsel vm0, $0xFFFFFFFF, v10  }
0x81: {  	vm4 =	vmmov vm5;
	vm2 =	vnez.u8 v16;
	[tilespmem:$0x1FF70] =	vst v10;
	v10 =	vimm.s32 $0x0  }
0x82: {  	v13 =	vsel vm2, v13, v57;
	vm2 =	vmmov vm12;
	v10 =	vsel vm4, $0xFFFFFFFF, v10  }
0x83: {  	vm0 =	vgt.f32 v59, v9;
	[tilespmem:$0x1FF50] =	vst v10;
	v10 =	vsel vm4, v8, v3;
	v8 =	vimm.s32 $0x0  }
0x84: {  	v16 =	vld [tilespmem:s13+$0x300];
	[tilespmem:s9+$0x600] =	vst v13;
	v13 =	vsel vm0, $0x3, v15;
	v8 =	vsel vm2, $0xFFFFFFFF, v8  }
0x85: {  	[tilespmem:$0x1FF80] =	vst v8;
	v8 =	vsel vm0, v59, v9;
	vm0 =	veq.s32 v1, $0x3;
	v9 =	vimm.s32 $0x0  }
0x86: {  	v9 =	vsel vm0, $0xFFFFFFFF, v9  }
0x87: {  	vm6 =	veq.s32 v1, $0x1;
	s9 =	smov.u32 s10;
	s10 =	smov.u32 s11;
	s11 =	smov.u32 s13;
	vm2 =	veq.s32 v1, $0x2;
	[tilespmem:$0x1FF90] =	vst v9;
	v9 =	vimm.s32 $0x0  }
0x88: {  	v60 =	vld [tilespmem:s11+$0x380];
	v15 =	vimm.s32 $0x0;
	vm4 =	vmand vm3, vm4;
	v9 =	vsel vm2, $0xFFFFFFFF, v9  }
0x89: {  	vm0 =	vgt.f32 v14, v8;
	vm2 =	veq.s32 v1, $0x4;
	[tilespmem:$0x1FFA0] =	vst v9;
	v9 =	vimm.s32 $0x0  }
0x8a: {  	v61 =	vsel vm0, v14, v8;
	v9 =	vsel vm2, $0xFFFFFFFF, v9;
	vm2 =	veq.s32 v1, $0x0  }
0x8b: {  	v13 =	vsel vm0, $0x4, v13;
	vm0 =	vgt.f32 v16, v61;
	[tilespmem:$0x1FFB0] =	vst v9;
	v9 =	vld [tilespmem:s11+$0x400];
	v15 =	vsel vm2, $0xFFFFFFFF, v15  }
0x8c: {  	vm2 =	veq.s32 v1, $0x5;
	v1 =	vmovc v2;
	v2 =	vsel vm0, v16, v61;
	[tilespmem:$0x1FFE0] =	vst v15;
	v15 =	vimm.s32 $0x0  }
0x8d: {  	v8 =	vpop (erf);
	v13 =	vsel vm0, $0x5, v13;
	vm3 =	vgt.f32 v60, v2;
	v15 =	vsel vm2, $0xFFFFFFFF, v15  }
0x8e: {  	[tilespmem:$0x1FFF0] =	vst v15;
	v15 =	vadd.f32 $1.000000000e+00, v8;
	v8 =	vsel vm3, v60, v2;
	v2 =	vsel vm3, $0x6, v13;
	v13 =	vld [tilespmem:$0x1FFC0]  }
0x8f: {  	v12 =	vsel vm11, v4, v12;
	v62 =	vimm.s32 $0x0  }
0x90: {  	v11 =	vsel vm14, $0x7, v11;
	vm2 =	vgt.f32 v9, v8;
	(erf) = vrcp.f32 v15;
	v15 =	vld [tilespmem:$0x1FFD0]  }
0x91: {  	vm8 =	veq.s32 v11, $0x5;
	vm12 =	vgt.f32 v5, v12;
	vm5 =	vmneg vm2  }
0x92: {  	vm0 =	veq.s32 v11, $0x4;
	vm9 =	vne.s32 v1, $0x5;
	v2 =	vnsel vm5, $0x7, v2  }
0x93: {  	vm15 =	vne.s32 v1, $0x4;
	vm2 =	vnez.u8 v13;
	vm10 =	vne.s32 v2, $0x0  }
0x94: {  	v13 =	vsel vm2, $0x1, v0;
	vm2 =	veq.s32 v11, $0x3;
	vm10 =	vmand vm1, vm10  }
0x95: {  	vm1 =	veq.s32 v11, $0x0;
	vm7 =	vnez.u8 v15;
	v15 =	vnsel vm10, $0xFF800000, v18  }
0x96: {  	vm10 =	vmand vm15, vm12;
	v13 =	vsel vm7, $0x2, v13;
	vm7 =	veq.s32 v11, $0x2  }
0x97: {  	vm12 =	vgt.f32 v19, v15;
	v13 =	vsel vm11, $0x3, v13;
	vm11 =	vne.s32 v2, $0x1  }
0x98: {  	v12 =	vsel vm10, v5, v12;
	v5 =	vmovc v14;
	vm11 =	vmand vm11, vm12;
	v14 =	vsel vm10, $0x4, v13  }
0x99: {  	vm10 =	vgt.f32 v7, v12;
	v63 =	vsel vm11, $0xFFFFFFFF, v62;
	v18 =	vsel vm11, v19, v15  }
0x9a: {  	vm11 =	vmand vm9, vm10;
	vm9 =	veq.s32 v11, $0x1;
	vm10 =	vne.s32 v2, $0x2  }
0x9b: {  	p0 =	sne.s32 s12, $0xFFFFFFC0;
	vm12 =	vgt.f32 v17, v18;
	v11 =	vsel vm11, v7, v12;
	v7 =	vmovc v16;
	v16 =	vsel vm11, $0x5, v14;
	v14 =	vld [tilespmem:$0x1FF50]  }
.Ltmp1:
0x9c: {  	v13 =	vpop (erf);
	v12 =	vimm.s32 $0x0;
	vm10 =	vmand vm10, vm12;
	vm12 =	vgt.f32 v6, v11;
	(pc) =	sbr.rel @p0 .LBB2_3-.Ltmp1, $4  }
0x9d: {  	v15 =	vsub.f32 $1.000000000e+00, v13;
	v12 =	vsel vm10, $0xFFFFFFFF, v12;
	vm12 =	vmneg vm12  }
0x9e: {  	v4 =	vmovc v59;
	[tilespmem:$0x1FFD0] =	vst v12;
	v12 =	vsel vm10, v17, v18;
	vm10 =	vne.s32 v2, $0x3;
	vm15 =	vmor vm4, vm12  }
0x9f: {  	vm12 =	vmmov vm4;
	v17 =	vnsel vm14, $0x0, v15;
	vm13 =	vgt.f32 v4, v12  }
0xa0: {  	s12 =	sadd.s32 $0x40, s12;
	[tilespmem:$0x1FFC0] =	vst v63;
	vm4 =	vnez.u8 v14;
	vm11 =	vmand vm10, vm13;
	v14 =	vsel vm15, v11, v6;
	v6 =	vmovc v60  }
0xa1: {  	vm10 =	vmmov vm4;
	v11 =	vimm.s32 $0x0;
	vm13 =	vgt.f32 v3, v14  }
0xa2: {  	v4 =	vsel vm11, v4, v12;
	v61 =	vimm.s32 $0x0;
	vm4 =	vmand vm10, vm13  }
0xa3: {  	v11 =	vsel vm10, $0xFFFFFFFF, v11;
	vm10 =	vne.s32 v2, $0x4;
	v3 =	vsel vm4, v3, v14  }
0xa4: {  	v3 =	vsub.f32 v3, v10;
	v10 =	vsel vm12, $0xFFFFFFFF, v61;
	vm12 =	vgt.f32 v5, v4  }
0xa5: {  	vm10 =	vmand vm10, vm12  }
0xa6: {  	v62 =	vimm.s32 $0x0;
	v3 =	vmul.f32 $1.442695020e+00, v3;
	v4 =	vsel vm10, v5, v4  }
0xa7: {  	[tilespmem:$0x1FF30] =	vst v10;
	v10 =	vsel vm10, $0xFFFFFFFF, v62;
	vm10 =	vne.s32 v2, $0x5;
	vm12 =	vgt.f32 v7, v4  }
0xa8: {  	vm13 =	vmand vm10, vm12;
	(erf) = vpow2.f32 v3  }
0xa9: {  	v3 =	vsel vm13, v7, v4  }
0xaa: {  	vm10 =	vmmov vm5;
	vm5 =	vgt.f32 v6, v3  }
0xab: {  	vm12 =	vmand vm3, vm10;
	vm14 =	vmneg vm5  }
0xac: {  	v21 =	vld [tilespmem:$0x1FFE0];
	vm5 =	vmor vm12, vm14  }
0xad: {  	v63 =	vimm.s32 $0x0;
	v27 =	vld [tilespmem:$0x1FF80];
	v3 =	vsel vm5, v3, v6  }
0xae: {  	v28 =	vld [tilespmem:$0x1FFA0];
	vm3 =	vmmov vm10;
	v4 =	vsel vm12, $0xFFFFFFFF, v63;
	vm12 =	vgt.f32 v9, v3  }
0xaf: {  	v19 =	vnsel vm1, $0x0, v15;
	v22 =	vld [tilespmem:$0x1FF70];
	vm14 =	vmand vm3, vm12  }
0xb0: {  	v20 =	vnsel vm8, $0x0, v15;
	v31 =	vld [tilespmem:$0x1FFB0];
	[tilespmem:$0x1FF10] =	vst v10;
	v10 =	vsel vm10, v8, v9;
	v3 =	vsel vm14, v9, v3  }
0xb1: {  	v23 =	vnsel vm7, $0x0, v15;
	v24 =	vnsel vm2, $0x0, v15;
	v32 =	vld [tilespmem:$0x1FF90];
	[tilespmem:$0x1FF20] =	vst v11;
	v11 =	vpop (erf);
	v3 =	vsub.f32 v3, v10  }
0xb2: {  	v26 =	vnsel vm0, $0x0, v15;
	v35 =	vnsel vm15, $0x6, v16;
	v12 =	vadd.f32 $1.000000000e+00, v11  }
0xb3: {  	vm7 =	vnez.u8 v27;
	vm8 =	vnez.u8 v28;
	v36 =	vld [tilespmem:$0x1FF10];
	v3 =	vmul.f32 $1.442695020e+00, v3  }
0xb4: {  	v14 =	vld [tilespmem:$0x1FF60];
	vm10 =	vnez.u8 v21;
	v8 =	vsel vm8, v13, v23;
	(erf) = vrcp.f32 v12  }
0xb5: {  	v29 =	vld [tilespmem:$0x1FFC0];
	v5 =	vsel vm10, v13, v19;
	vm12 =	vnez.u8 v22;
	(erf) = vpow2.f32 v3  }
0xb6: {  	v25 =	vld [tilespmem:$0x1FFF0];
	vm10 =	vnez.u8 v31;
	v7 =	vsel vm12, $0x0, v15;
	vm12 =	vnez.u8 v32  }
0xb7: {  	v33 =	vld [tilespmem:$0x1FFD0];
	v7 =	vsel vm7, v13, v7;
	v10 =	vsel vm10, v13, v26;
	v9 =	vsel vm12, v13, v24  }
0xb8: {  	vm7 =	vnez.u8 v36;
	vm10 =	veq.s32 v1, $0x1;
	v3 =	vnsel vm9, $0x0, v15  }
0xb9: {  	v40 =	vld [tilespmem:$0x1FF20];
	vm9 =	vnez.u8 v14;
	v14 =	vsel vm4, $0x7, v35;
	v3 =	vsel vm6, v13, v3  }
0xba: {  	vm6 =	vmmov vm9;
	vm9 =	vnez.u8 v29;
	vm8 =	veq.s32 v14, $0x1  }
0xbb: {  	vm12 =	veq.s32 v14, $0x5;
	v18 =	vsel vm6, v17, v13;
	vm6 =	vnez.u8 v25  }
0xbc: {  	v11 =	vsel vm9, $0x1, v0;
	v6 =	vsel vm6, v13, v20;
	vm6 =	vnez.u8 v33  }
0xbd: {  	vm9 =	vmor vm4, vm15;
	vm15 =	veq.s32 v1, $0x0;
	v11 =	vsel vm6, $0x2, v11;
	v30 =	vpop (erf)  }
0xbe: {  	[tilespmem:s9+$0x580] =	vst v8;
	vm6 =	veq.s32 v1, $0x5;
	v11 =	vsel vm11, $0x3, v11;
	vm11 =	vnez.u8 v40;
	v34 =	vpop (erf)  }
0xbf: {  	v48 =	vld [tilespmem:$0x1FF30];
	[tilespmem:$0x1FF40] =	vst v4;
	v11 =	vsel vm7, $0x4, v11;
	vm2 =	vmmov vm11;
	v13 =	vadd.f32 $1.000000000e+00, v34  }
0xc0: {  	[tilespmem:s9+$0x480] =	vst v5;
	vm7 =	veq.s32 v14, $0x3;
	vm11 =	veq.s32 v1, $0x3;
	v37 =	vsub.f32 $1.000000000e+00, v30  }
0xc1: {  	[tilespmem:s9+$0x500] =	vst v3;
	v3 =	vsel vm13, $0x5, v11;
	vm13 =	veq.s32 v14, $0x0;
	(erf) = vrcp.f32 v13  }
0xc2: {  	[tilespmem:s9+$0x780] =	vst v7;
	v38 =	vnsel vm8, $0x0, v37;
	v39 =	vnsel vm4, $0x0, v37;
	v42 =	vnsel vm13, $0x0, v37  }
0xc3: {  	[tilespmem:s9+$0x680] =	vst v10;
	v43 =	vnsel vm12, $0x0, v37;
	vm4 =	veq.s32 v14, $0x2;
	v45 =	vsel vm9, $0x0, v37  }
0xc4: {  	[tilespmem:s9+$0x600] =	vst v9;
	v47 =	vnsel vm7, $0x0, v37;
	vm8 =	veq.s32 v14, $0x4;
	vm9 =	vnez.u8 v48  }
0xc5: {  	v60 =	vld [tilespmem:$0x1FF40];
	[tilespmem:s9+$0x800] =	vst v18;
	vm12 =	veq.s32 v1, $0x4;
	vm13 =	vmor vm14, vm5;
	v4 =	vsel vm10, v30, v38  }
0xc6: {  	[tilespmem:s9+$0x700] =	vst v6;
	v41 =	vsel vm2, v39, v30;
	v44 =	vsel vm15, v30, v42;
	v46 =	vnsel vm4, $0x0, v37  }
0xc7: {  	v8 =	vsel vm6, v30, v43;
	vm1 =	vmmov vm9;
	v49 =	vnsel vm8, $0x0, v37;
	[tilespmem:s10+$0x500] =	vst v4  }
0xc8: {  	vm10 =	veq.s32 v1, $0x2;
	v1 =	vnsel vm5, $0x6, v3;
	v54 =	vsel vm11, v30, v47;
	[tilespmem:s10+$0x800] =	vst v41  }
0xc9: {  	vm15 =	veq.s32 v2, $0x1;
	vm4 =	vmmov vm3;
	vm6 =	veq.s32 v2, $0x0;
	[tilespmem:s10+$0x480] =	vst v44  }
0xca: {  	vm9 =	vnez.u8 v60;
	vm11 =	veq.s32 v2, $0x5;
	v50 =	vsel vm1, v30, v45;
	[tilespmem:s10+$0x700] =	vst v8;
	v52 =	vpop (erf)  }
0xcb: {  	v51 =	vsel vm10, v30, v46;
	v1 =	vsel vm14, $0x7, v1;
	[tilespmem:s10+$0x600] =	vst v54;
	v3 =	vsub.f32 $1.000000000e+00, v52  }
0xcc: {  	v53 =	vsel vm12, v30, v49;
	vm10 =	veq.s32 v2, $0x2;
	[tilespmem:s10+$0x780] =	vst v50;
	vm5 =	veq.s32 v1, $0x0  }
0xcd: {  	[tilespmem:s10+$0x580] =	vst v51;
	vm7 =	veq.s32 v1, $0x5;
	vm8 =	veq.s32 v1, $0x2;
	v55 =	vnsel vm14, $0x0, v3  }
0xce: {  	[tilespmem:s10+$0x680] =	vst v53;
	vm12 =	veq.s32 v1, $0x4;
	v57 =	vnsel vm5, $0x0, v3;
	v4 =	vsel vm4, v55, v52  }
0xcf: {  	vm14 =	veq.s32 v1, $0x1;
	v58 =	vnsel vm7, $0x0, v3;
	v6 =	vsel vm6, v52, v57;
	[tilespmem:s11+$0x800] =	vst v4  }
0xd0: {  	v59 =	vsel vm13, $0x0, v3;
	v56 =	vnsel vm14, $0x0, v3;
	v62 =	vsel vm11, v52, v58;
	[tilespmem:s11+$0x480] =	vst v6  }
0xd1: {  	v61 =	vnsel vm8, $0x0, v3;
	vm13 =	veq.s32 v2, $0x4;
	v5 =	vsel vm15, v52, v56;
	[tilespmem:s11+$0x700] =	vst v62  }
0xd2: {  	v63 =	vnsel vm12, $0x0, v3;
	vm14 =	veq.s32 v1, $0x3;
	v4 =	vsel vm10, v52, v61;
	[tilespmem:s11+$0x500] =	vst v5  }
0xd3: {  	vm0 =	vmmov vm9;
	v1 =	vnsel vm14, $0x0, v3;
	v3 =	vsel vm13, v52, v63;
	[tilespmem:s11+$0x580] =	vst v4  }
0xd4: {  	s8 =	sadd.s32 $0x1, s8;
	vm15 =	veq.s32 v2, $0x3;
	v5 =	vsel vm0, v52, v59;
	[tilespmem:s11+$0x680] =	vst v3  }
0xd5: {  	p0 =	sne.s32 s8, s4;
	v1 =	vsel vm15, v52, v1;
	[tilespmem:s11+$0x780] =	vst v5  }
.Ltmp2:
0xd6: {  	[tilespmem:s11+$0x600] =	vst v1;
	(pc) =	sbr.rel @p0 .LBB2_2-.Ltmp2, $4  }
0xd7: {  	[hbm4b:s3+s5] =	stream.linear.scatter [tilespmem:s7], [sflag:$0x1], $0x400, $0x38;
	[tilespmem:$0x800] =	vst v63  }
0xd8: {  	_ =	swait.ge [sflag:s6], $0x400  }
0xd9: {  	[sflag:s6] =	ssyncset.done $0x0  }
0xda: {  	[sflag:s6] =	ssyncadd.s32 $0xFFFFFC00  }
.LBB2_5:
0xdb: {  	_ =	sfence.sel $0x180000  }
0xdc: {  	[bflag:$0x0] =	sbarrier.arrive $0xFFFF  }
0xdd: {  	p0 =	sne.s32 s0, $0x0;
	_ =	strace $0x90000047  }
0xde: {  	s0 =	sadd.s32 @!p0 $0x100000, s1;
	[bflag:$0x2] =	sbarrier.arrive $0xFFFF  }
0xdf: {  	[sflag:s0] =	ssyncadd.tile.s32 @!p0 $0x1;
	_ =	shalt  }
.Lfunc_end2:
_tile_overlayer_lowered:
.L_overlay_start_2:
0xe0: {  	(tag) =	ssettag $0x2  }
0xe1: {  	s0 =	rddreg [dreg:$0x0];
	s2 =	stileid.u32  }
0xe2: {  	s1 =	rddreg [dreg:$0x1];
	p0 =	sne.s32 s2, $0x0  }
0xe3: {  	s3 =	rddreg [dreg:$0x2];
	[bflag:$0x3] =	sbarrier.arrive $0xFFFF;
	s2 =	simm.s32 @!p0 $0x1C01  }
0xe4: {  	[timem:s3], [sflag:s2] =	dma.local @!p0 [hbm:s0], s1  }
0xe5: {  	s0 =	simm.s32 @!p0 $0x1  }
0xe6: {  	_ =	swait.ge @!p0 [sflag:s0], s1  }
0xe7: {  	s1 =	ssub.s32 @!p0 $0x0, s1;
	[sflag:s0] =	ssyncset.done @!p0 $0x0  }
0xe8: {  	[sflag:s0] =	ssyncadd.s32 @!p0 s1  }
0xe9: {  	[bflag:$0x3] =	sbarrier.arrive $0xFFFF  }
0xea: {  	_ =	shalt  }

</sc_bundles>
